<compile_context>
chip_gen: v7x
topology: tpu7x:2x2x1
jax: 0.10.2.dev20260603
libtpu: 0.0.44.dev20260713+nightly
codegen_flags: <defaults>
</compile_context>

<pallas_src>
import functools

import jax
import jax.numpy as jnp
from jax import lax
from jax.experimental import pallas as pl
from jax.experimental.pallas import tpu as pltpu
from jax.experimental.pallas import tpu_sc as plsc

EPS = 1e-06
NEG_INF = float("-inf")

B, S, D, E, K = 2, 2048, 1024, 8, 2
N = B * S
A = N * K
RT = 1024
NR = N // RT
TG = 256
NP = A + E * TG
NT = NP // TG
NW = 32
TPW = N // NW
CH = 64


def _top2(x_ref, wr_ref, br_ref):
    xb = x_ref[...].astype(jnp.bfloat16)
    logits = lax.dot_general(
        xb, wr_ref[...], (((1,), (1,)), ((), ())),
        preferred_element_type=jnp.float32) + br_ref[...]
    eidx = lax.broadcasted_iota(jnp.int32, (RT, E), 1)
    v0 = jnp.max(logits, axis=-1, keepdims=True)
    i0 = jnp.argmax(logits, axis=-1)
    masked = jnp.where(eidx == i0[:, None], NEG_INF, logits)
    v1 = jnp.max(masked, axis=-1, keepdims=True)
    i1 = jnp.argmax(masked, axis=-1)
    oh0 = (eidx == i0[:, None]).astype(jnp.float32)
    oh1 = (eidx == i1[:, None]).astype(jnp.float32)
    return oh0, oh1, v0, v1


def _count_kernel(x_ref, wr_ref, br_ref, cnt_ref):
    r = pl.program_id(0)
    oh0, oh1, _, _ = _top2(x_ref, wr_ref, br_ref)
    cnt_ref[pl.ds(0, 1), pl.ds(0, 1), :] = jnp.sum(oh0, axis=0, keepdims=True)[None]
    cnt_ref[pl.ds(0, 1), pl.ds(1, 1), :] = jnp.sum(oh1, axis=0, keepdims=True)[None]


def _slots_kernel(lt_ref, cnt_ref, x_ref, wr_ref, br_ref,
                  slot0_ref, slot1_ref, w0_ref, w1_ref, te_ref):
    r = pl.program_id(0)
    oh0, oh1, v0, v1 = _top2(x_ref, wr_ref, br_ref)

    full = cnt_ref[...]
    cnt0 = full[:, 0, :]
    cnt1 = full[:, 1, :]
    total0 = jnp.sum(cnt0, axis=0, keepdims=True)
    total = total0 + jnp.sum(cnt1, axis=0, keepdims=True)
    padded = jnp.ceil(total * (1.0 / TG)) * TG
    srcm = (lax.broadcasted_iota(jnp.int32, (E, E), 0)
            < lax.broadcasted_iota(jnp.int32, (E, E), 1)).astype(jnp.float32)
    base = lax.dot_general(
        padded, srcm, (((1,), (0,)), ((), ())),
        precision=jax.lax.Precision.HIGHEST,
        preferred_element_type=jnp.float32)
    rmask = (lax.broadcasted_iota(jnp.int32, (NR, E), 0)
             < r).astype(jnp.float32)
    pre0 = jnp.sum(cnt0 * rmask, axis=0, keepdims=True)
    pre1 = jnp.sum(cnt1 * rmask, axis=0, keepdims=True)
    g0 = base + pre0
    g1 = base + total0 + pre1

    ltm = lt_ref[...]
    cums0 = lax.dot_general(
        ltm, oh0.astype(jnp.bfloat16), (((1,), (0,)), ((), ())),
        preferred_element_type=jnp.float32)
    cums1 = lax.dot_general(
        ltm, oh1.astype(jnp.bfloat16), (((1,), (0,)), ((), ())),
        preferred_element_type=jnp.float32)

    slot0 = jnp.sum(oh0 * (g0 + cums0), axis=1, keepdims=True)
    slot1 = jnp.sum(oh1 * (g1 + cums1), axis=1, keepdims=True)
    slot0_ref[...] = slot0.astype(jnp.int32)
    slot1_ref[...] = slot1.astype(jnp.int32)

    bexp = jnp.exp(v1 - v0)
    denom = 1.0 + bexp
    w0_ref[...] = 1.0 / denom
    w1_ref[...] = bexp / denom

    bounds = jnp.transpose(base + padded)
    tstart = lax.broadcasted_iota(
        jnp.int32, (E, NT), 1).astype(jnp.float32) * float(TG)
    te = jnp.sum((bounds <= tstart).astype(jnp.int32),
                 axis=0, keepdims=True)
    te_ref[...] = jnp.minimum(te, E - 1)


def _router(xf, wr_bf, br, lt):
    br2 = br.reshape(1, E)
    cnt = pl.pallas_call(
        _count_kernel,
        grid=(NR,),
        in_specs=[
            pl.BlockSpec((RT, D), lambda r: (r, 0)),
            pl.BlockSpec((E, D), lambda r: (0, 0)),
            pl.BlockSpec((1, E), lambda r: (0, 0)),
        ],
        out_specs=pl.BlockSpec((1, 2, E), lambda r: (r, 0, 0)),
        out_shape=jax.ShapeDtypeStruct((NR, 2, E), jnp.float32),
        compiler_params=pltpu.CompilerParams(
            dimension_semantics=("arbitrary",)),
    )(xf, wr_bf, br2)
    return pl.pallas_call(
        _slots_kernel,
        grid=(NR,),
        in_specs=[
            pl.BlockSpec((RT, RT), lambda r: (0, 0)),
            pl.BlockSpec((NR, 2, E), lambda r: (0, 0, 0)),
            pl.BlockSpec((RT, D), lambda r: (r, 0)),
            pl.BlockSpec((E, D), lambda r: (0, 0)),
            pl.BlockSpec((1, E), lambda r: (0, 0)),
        ],
        out_specs=[
            pl.BlockSpec((RT, 1), lambda r: (r, 0)),
            pl.BlockSpec((RT, 1), lambda r: (r, 0)),
            pl.BlockSpec((RT, 1), lambda r: (r, 0)),
            pl.BlockSpec((RT, 1), lambda r: (r, 0)),
            pl.BlockSpec((1, NT), lambda r: (0, 0)),
        ],
        out_shape=[
            jax.ShapeDtypeStruct((N, 1), jnp.int32),
            jax.ShapeDtypeStruct((N, 1), jnp.int32),
            jax.ShapeDtypeStruct((N, 1), jnp.float32),
            jax.ShapeDtypeStruct((N, 1), jnp.float32),
            jax.ShapeDtypeStruct((1, NT), jnp.int32),
        ],
        compiler_params=pltpu.CompilerParams(
            dimension_semantics=("arbitrary",)),
    )(lt, cnt, xf, wr_bf, br2)


def _sc_dispatch_kernel(xb_hbm, s0_hbm, s1_hbm, xs_hbm,
                        s0_v, s1_v, rows_v, sem0, sem1):
    wid = lax.axis_index("s") * 2 + lax.axis_index("c")
    base = wid * TPW
    pltpu.sync_copy(s0_hbm.at[pl.ds(base, TPW)], s0_v)
    pltpu.sync_copy(s1_hbm.at[pl.ds(base, TPW)], s1_v)
    pltpu.sync_copy(xb_hbm.at[pl.ds(base, TPW)], rows_v)
    cp0 = pltpu.async_copy(rows_v, xs_hbm.at[s0_v], sem0)
    cp1 = pltpu.async_copy(rows_v, xs_hbm.at[s1_v], sem1)
    cp0.wait()
    cp1.wait()


def _dispatch(xb32, s0, s1):
    mesh = plsc.VectorSubcoreMesh(core_axis_name="c", subcore_axis_name="s")
    f = functools.partial(
        pl.kernel, mesh=mesh,
        out_type=jax.ShapeDtypeStruct((NP, D // 2), jnp.int32),
        scratch_types=[
            pltpu.VMEM((TPW,), jnp.int32),
            pltpu.VMEM((TPW,), jnp.int32),
            pltpu.VMEM((TPW, D // 2), jnp.int32),
            pltpu.SemaphoreType.DMA,
            pltpu.SemaphoreType.DMA,
        ],
        compiler_params=pltpu.CompilerParams(use_tc_tiling_on_sc=True),
        )(_sc_dispatch_kernel)
    return f(xb32, s0, s1)


def _gmm_kernel(te_ref, xs_ref, we_ref, be_ref, ys_ref):
    i = pl.program_id(0)
    e = te_ref[i]
    h = lax.dot_general(
        xs_ref[...], we_ref[e], (((1,), (1,)), ((), ())),
        preferred_element_type=jnp.float32)
    h = h + be_ref[pl.ds(e, 1), :]
    ys_ref[...] = h * jax.nn.sigmoid(h)


def _gmm(te, xs, we_bf, be):
    grid_spec = pltpu.PrefetchScalarGridSpec(
        num_scalar_prefetch=1,
        grid=(NT,),
        in_specs=[
            pl.BlockSpec((TG, D), lambda i, te: (i, 0)),
            pl.BlockSpec((E, D, D), lambda i, te: (0, 0, 0)),
            pl.BlockSpec((E, D), lambda i, te: (0, 0)),
        ],
        out_specs=pl.BlockSpec((TG, D), lambda i, te: (i, 0)),
    )
    return pl.pallas_call(
        _gmm_kernel,
        grid_spec=grid_spec,
        out_shape=jax.ShapeDtypeStruct((NP, D), jnp.float32),
        compiler_params=pltpu.CompilerParams(
            dimension_semantics=("arbitrary",),
            vmem_limit_bytes=100 * 1024 * 1024,
        ),
    )(te, xs, we_bf, be)


def _sc_combine_kernel(ys_hbm, s0_hbm, s1_hbm, sel0_hbm, sel1_hbm,
                       idx_v, rows_v, sem):
    wid = lax.axis_index("s") * 2 + lax.axis_index("c")
    base = wid * TPW
    for s_hbm, sel_hbm in ((s0_hbm, sel0_hbm), (s1_hbm, sel1_hbm)):
        for c in range(TPW // CH):
            off = base + c * CH
            pltpu.sync_copy(s_hbm.at[pl.ds(off, CH)], idx_v)
            pltpu.async_copy(ys_hbm.at[idx_v], rows_v, sem).wait()
            pltpu.sync_copy(rows_v, sel_hbm.at[pl.ds(off, CH)])


def _combine(ys, s0, s1):
    mesh = plsc.VectorSubcoreMesh(core_axis_name="c", subcore_axis_name="s")
    f = functools.partial(
        pl.kernel, mesh=mesh,
        out_type=(jax.ShapeDtypeStruct((N, D), jnp.float32),
                  jax.ShapeDtypeStruct((N, D), jnp.float32)),
        scratch_types=[
            pltpu.VMEM((CH,), jnp.int32),
            pltpu.VMEM((CH, D), jnp.float32),
            pltpu.SemaphoreType.DMA,
        ],
        compiler_params=pltpu.CompilerParams(use_tc_tiling_on_sc=True),
        )(_sc_combine_kernel)
    return f(ys, s0, s1)


FT = 512


def _final_kernel(x_ref, w0_ref, w1_ref, sel0_ref, sel1_ref, wo_ref, bo_ref,
                  nw_ref, out_ref):
    xt = x_ref[...]
    comb = w0_ref[...] * sel0_ref[...] + w1_ref[...] * sel1_ref[...]
    out = lax.dot_general(
        comb.astype(jnp.bfloat16), wo_ref[...], (((1,), (1,)), ((), ())),
        preferred_element_type=jnp.float32) + bo_ref[...]
    res = xt + out
    rms = jnp.sqrt(jnp.mean(res * res, axis=-1, keepdims=True) + EPS)
    out_ref[...] = nw_ref[...] * (res / rms)


def _finalize(xf, w0, w1, sel0, sel1, wo_bf, bo, norm_w):
    return pl.pallas_call(
        _final_kernel,
        grid=(N // FT,),
        in_specs=[
            pl.BlockSpec((FT, D), lambda i: (i, 0)),
            pl.BlockSpec((FT, 1), lambda i: (i, 0)),
            pl.BlockSpec((FT, 1), lambda i: (i, 0)),
            pl.BlockSpec((FT, D), lambda i: (i, 0)),
            pl.BlockSpec((FT, D), lambda i: (i, 0)),
            pl.BlockSpec((D, D), lambda i: (0, 0)),
            pl.BlockSpec((1, D), lambda i: (0, 0)),
            pl.BlockSpec((1, D), lambda i: (0, 0)),
        ],
        out_specs=pl.BlockSpec((FT, D), lambda i: (i, 0)),
        out_shape=jax.ShapeDtypeStruct((N, D), jnp.float32),
    )(xf, w0, w1, sel0, sel1, wo_bf, bo.reshape(1, D), norm_w.reshape(1, D))


@jax.jit
def kernel(x, Wr, br, We, be, Wo, bo, norm_w):
    xf = x.reshape(N, D)
    xb = xf.astype(jnp.bfloat16)
    wr_bf = Wr.astype(jnp.bfloat16)
    we_bf = We.astype(jnp.bfloat16)
    wo_bf = Wo.astype(jnp.bfloat16)
    lt = jnp.tril(jnp.ones((RT, RT), jnp.bfloat16), k=-1)

    slot0, slot1, w0, w1, te = _router(xf, wr_bf, br, lt)
    s0 = slot0.reshape(N)
    s1 = slot1.reshape(N)
    xb32 = lax.bitcast_convert_type(xb.reshape(N, D // 2, 2), jnp.int32)
    xs32 = _dispatch(xb32, s0, s1)
    xs = lax.bitcast_convert_type(xs32, jnp.bfloat16).reshape(NP, D)
    ys = _gmm(te.reshape(NT), xs, we_bf, be)
    sel0, sel1 = _combine(ys, s0, s1)
    out = _finalize(xf, w0, w1, sel0, sel1, wo_bf, bo, norm_w)
    return out.reshape(B, S, D)

# --- scband reference (transcript-rebuilt; emitter-appended) ---
"""Pipeline reference for scband-enhanced-gated-fusion-4715874091318 (READ-ONLY COPY).

The authoritative reference and input builder live on the scoring server;
editing this copy changes nothing except your own understanding.
"""

import jax, jax.numpy as jnp
import numpy as np

B, S, D, E, K = 2, 2048, 1024, 8, 2
EPS = 1e-06


def setup_inputs(seed: int = 0) -> dict:
    key = jax.random.key(seed)
    ks = jax.random.split(key, 8)
    x = jax.random.normal(ks[0], (B, S, D), dtype=jnp.float32)
    Wr = jax.random.normal(ks[1], (E, D), dtype=jnp.float32) * (1.0 / np.sqrt(D))
    br = jnp.zeros((E,), dtype=jnp.float32)
    We = jax.random.normal(ks[2], (E, D, D), dtype=jnp.float32) * (1.0 / np.sqrt(D))
    be = jnp.zeros((E, D), dtype=jnp.float32)
    Wo = jax.random.normal(ks[3], (D, D), dtype=jnp.float32) * (1.0 / np.sqrt(D))
    bo = jnp.zeros((D,), dtype=jnp.float32)
    norm_w = jnp.ones((D,), dtype=jnp.float32)
    return {"x": x, "Wr": Wr, "br": br, "We": We, "be": be, "Wo": Wo, "bo": bo, "norm_w": norm_w}


def reference(x, Wr, br, We, be, Wo, bo, norm_w):
    # Router logits (eval mode: no router noise)
    logits = jnp.einsum('bsd,ed->bse', x, Wr) + br  # [B, S, E]
    # Top-k gating
    topv, topi = jax.lax.top_k(logits, K)  # [B, S, K]
    w = jax.nn.softmax(topv, axis=-1)  # [B, S, K]
    # Each expert: Linear(D->D) + SiLU (dropout identity in eval).
    # Computed densely per expert, then gathered per-token for the top-k experts;
    # this is mathematically identical to the masked per-expert loop in torch.
    eo = jax.nn.silu(jnp.einsum('bsd,efd->bsef', x, We) + be)  # [B, S, E, D]
    sel = jnp.take_along_axis(eo, topi[..., None], axis=2)  # [B, S, K, D]
    combined = jnp.sum(sel * w[..., None], axis=2)  # [B, S, D]
    out = jnp.einsum('bsd,fd->bsf', combined, Wo) + bo
    res = x + out
    rms = jnp.sqrt(jnp.mean(res ** 2, axis=-1, keepdims=True) + EPS)
    return norm_w * (res / rms)

if __name__ == "__main__":
    import jax
    _d = setup_inputs()
    print(jax.jit(kernel)(*tuple(_d.values())))

</pallas_src>

<mosaic_0001>
#map = affine_map<(d0, d1) -> (0, 0)>
#map1 = affine_map<(d0, d1) -> (0)>
module attributes {stable_mosaic.version = 14 : i64} {
  func.func @_sc_combine_kernel(%arg0: i32, %arg1: i32, %arg2: memref<10240x1024xf32, #tpu.memory_space<hbm>>, %arg3: memref<4096xi32, #tpu.memory_space<hbm>>, %arg4: memref<4096xi32, #tpu.memory_space<hbm>>, %arg5: memref<4096x1024xf32, #tpu.memory_space<hbm>>, %arg6: memref<4096x1024xf32, #tpu.memory_space<hbm>>, %arg7: memref<64xi32, #tpu.memory_space<vmem>>, %arg8: memref<64x1024xf32, #tpu.memory_space<vmem>>, %arg9: memref<!tpu.dma_semaphore, #tpu.memory_space<semaphore_mem>>) attributes {dimension_semantics = [#tpu.dimension_semantics<core_parallel>, #tpu.dimension_semantics<subcore_parallel>], iteration_bounds = array<i64: 2, 16>, scalar_prefetch = 0 : i64, scratch_operands = 3 : i64, tpu.core_type = #tpu.core_type<sc_vector_subcore>, window_params = [{transform_indices = #map}, {transform_indices = #map1}, {transform_indices = #map1}, {transform_indices = #map}, {transform_indices = #map}]} {
    %mul3A = arith.constant 2 : i32
    %mul3A_0 = arith.muli %arg1, %mul3A : i32
    %add3A = arith.addi %mul3A_0, %arg0 : i32
    %mul3A_1 = arith.constant 128 : i32
    %mul3A_2 = arith.muli %add3A, %mul3A_1 : i32
    %add3A_3 = arith.constant 0 : i32
    %add3A_4 = arith.addi %mul3A_2, %add3A_3 : i32
    "tpu.region"() ({
      %run_scoped3A = tpu.sem_alloc : memref<!tpu.dma_semaphore, #tpu.memory_space<semaphore_mem>>
      %dma_start3A_33 = tpu.memref_slice %arg3[%add3A_4] : memref<4096xi32, #tpu.memory_space<hbm>> -> memref<64xi32, #tpu.memory_space<hbm>>
      %dma_start3A_34 = tpu.memref_slice %arg3[%add3A_4] : memref<4096xi32, #tpu.memory_space<hbm>> -> memref<64xi32, #tpu.memory_space<hbm>>
      tpu.enqueue_dma source(%dma_start3A_34 : memref<64xi32, #tpu.memory_space<hbm>>) target(%arg7 : memref<64xi32, #tpu.memory_space<vmem>>) target_semaphore(%run_scoped3A : memref<!tpu.dma_semaphore, #tpu.memory_space<semaphore_mem>>)
      %dma_wait3A_35 = tpu.memref_slice %arg3[%add3A_4] : memref<4096xi32, #tpu.memory_space<hbm>> -> memref<64xi32, #tpu.memory_space<hbm>>
      %dma_wait3A_36 = tpu.memref_slice %arg3[%add3A_4] : memref<4096xi32, #tpu.memory_space<hbm>> -> memref<64xi32, #tpu.memory_space<hbm>>
      tpu.wait_dma2 semaphore(%run_scoped3A : memref<!tpu.dma_semaphore, #tpu.memory_space<semaphore_mem>>) src(%dma_wait3A_36 : memref<64xi32, #tpu.memory_space<hbm>>) dst(%arg7 : memref<64xi32, #tpu.memory_space<vmem>>)
      tpu.yield
    }) : () -> ()
    %dma_start3A = arith.constant 0 : i32
    %dma_start3A_5 = arith.constant 0 : i32
    %dma_start3A_6 = tpu.memref_slice %arg2[%dma_start3A, %dma_start3A_5] : memref<10240x1024xf32, #tpu.memory_space<hbm>> -> memref<10240x1024xf32, #tpu.memory_space<hbm>>
    tpu.enqueue_indirect_dma source(%dma_start3A_6 : memref<10240x1024xf32, #tpu.memory_space<hbm>>) target(%arg8 : memref<64x1024xf32, #tpu.memory_space<vmem>>) offsets(%arg7 : memref<64xi32, #tpu.memory_space<vmem>>) semaphore(%arg9 : memref<!tpu.dma_semaphore, #tpu.memory_space<semaphore_mem>>)
    %dma_wait3A = arith.constant 0 : i32
    %dma_wait3A_7 = arith.constant 0 : i32
    %dma_wait3A_8 = tpu.memref_slice %arg2[%dma_wait3A, %dma_wait3A_7] : memref<10240x1024xf32, #tpu.memory_space<hbm>> -> memref<10240x1024xf32, #tpu.memory_space<hbm>>
    tpu.wait_indirect_dma semaphore(%arg9 : memref<!tpu.dma_semaphore, #tpu.memory_space<semaphore_mem>>) src(%dma_wait3A_8 : memref<10240x1024xf32, #tpu.memory_space<hbm>>) dst(%arg8 : memref<64x1024xf32, #tpu.memory_space<vmem>>)
    "tpu.region"() ({
      %run_scoped3A = tpu.sem_alloc : memref<!tpu.dma_semaphore, #tpu.memory_space<semaphore_mem>>
      %dma_start3A_33 = arith.constant 0 : i32
      %dma_start3A_34 = tpu.memref_slice %arg5[%add3A_4, %dma_start3A_33] : memref<4096x1024xf32, #tpu.memory_space<hbm>> -> memref<64x1024xf32, #tpu.memory_space<hbm>>
      %dma_start3A_35 = arith.constant 0 : i32
      %dma_start3A_36 = tpu.memref_slice %arg5[%add3A_4, %dma_start3A_35] : memref<4096x1024xf32, #tpu.memory_space<hbm>> -> memref<64x1024xf32, #tpu.memory_space<hbm>>
      tpu.enqueue_dma source(%arg8 : memref<64x1024xf32, #tpu.memory_space<vmem>>) target(%dma_start3A_36 : memref<64x1024xf32, #tpu.memory_space<hbm>>) target_semaphore(%run_scoped3A : memref<!tpu.dma_semaphore, #tpu.memory_space<semaphore_mem>>)
      %dma_wait3A_37 = arith.constant 0 : i32
      %dma_wait3A_38 = tpu.memref_slice %arg5[%add3A_4, %dma_wait3A_37] : memref<4096x1024xf32, #tpu.memory_space<hbm>> -> memref<64x1024xf32, #tpu.memory_space<hbm>>
      %dma_wait3A_39 = arith.constant 0 : i32
      %dma_wait3A_40 = tpu.memref_slice %arg5[%add3A_4, %dma_wait3A_39] : memref<4096x1024xf32, #tpu.memory_space<hbm>> -> memref<64x1024xf32, #tpu.memory_space<hbm>>
      tpu.wait_dma2 semaphore(%run_scoped3A : memref<!tpu.dma_semaphore, #tpu.memory_space<semaphore_mem>>) src(%arg8 : memref<64x1024xf32, #tpu.memory_space<vmem>>) dst(%dma_wait3A_40 : memref<64x1024xf32, #tpu.memory_space<hbm>>)
      tpu.yield
    }) : () -> ()
    %add3A_9 = arith.constant 64 : i32
    %add3A_10 = arith.addi %mul3A_2, %add3A_9 : i32
    "tpu.region"() ({
      %run_scoped3A = tpu.sem_alloc : memref<!tpu.dma_semaphore, #tpu.memory_space<semaphore_mem>>
      %dma_start3A_33 = tpu.memref_slice %arg3[%add3A_10] : memref<4096xi32, #tpu.memory_space<hbm>> -> memref<64xi32, #tpu.memory_space<hbm>>
      %dma_start3A_34 = tpu.memref_slice %arg3[%add3A_10] : memref<4096xi32, #tpu.memory_space<hbm>> -> memref<64xi32, #tpu.memory_space<hbm>>
      tpu.enqueue_dma source(%dma_start3A_34 : memref<64xi32, #tpu.memory_space<hbm>>) target(%arg7 : memref<64xi32, #tpu.memory_space<vmem>>) target_semaphore(%run_scoped3A : memref<!tpu.dma_semaphore, #tpu.memory_space<semaphore_mem>>)
      %dma_wait3A_35 = tpu.memref_slice %arg3[%add3A_10] : memref<4096xi32, #tpu.memory_space<hbm>> -> memref<64xi32, #tpu.memory_space<hbm>>
      %dma_wait3A_36 = tpu.memref_slice %arg3[%add3A_10] : memref<4096xi32, #tpu.memory_space<hbm>> -> memref<64xi32, #tpu.memory_space<hbm>>
      tpu.wait_dma2 semaphore(%run_scoped3A : memref<!tpu.dma_semaphore, #tpu.memory_space<semaphore_mem>>) src(%dma_wait3A_36 : memref<64xi32, #tpu.memory_space<hbm>>) dst(%arg7 : memref<64xi32, #tpu.memory_space<vmem>>)
      tpu.yield
    }) : () -> ()
    %dma_start3A_11 = arith.constant 0 : i32
    %dma_start3A_12 = arith.constant 0 : i32
    %dma_start3A_13 = tpu.memref_slice %arg2[%dma_start3A_11, %dma_start3A_12] : memref<10240x1024xf32, #tpu.memory_space<hbm>> -> memref<10240x1024xf32, #tpu.memory_space<hbm>>
    tpu.enqueue_indirect_dma source(%dma_start3A_13 : memref<10240x1024xf32, #tpu.memory_space<hbm>>) target(%arg8 : memref<64x1024xf32, #tpu.memory_space<vmem>>) offsets(%arg7 : memref<64xi32, #tpu.memory_space<vmem>>) semaphore(%arg9 : memref<!tpu.dma_semaphore, #tpu.memory_space<semaphore_mem>>)
    %dma_wait3A_14 = arith.constant 0 : i32
    %dma_wait3A_15 = arith.constant 0 : i32
    %dma_wait3A_16 = tpu.memref_slice %arg2[%dma_wait3A_14, %dma_wait3A_15] : memref<10240x1024xf32, #tpu.memory_space<hbm>> -> memref<10240x1024xf32, #tpu.memory_space<hbm>>
    tpu.wait_indirect_dma semaphore(%arg9 : memref<!tpu.dma_semaphore, #tpu.memory_space<semaphore_mem>>) src(%dma_wait3A_16 : memref<10240x1024xf32, #tpu.memory_space<hbm>>) dst(%arg8 : memref<64x1024xf32, #tpu.memory_space<vmem>>)
    "tpu.region"() ({
      %run_scoped3A = tpu.sem_alloc : memref<!tpu.dma_semaphore, #tpu.memory_space<semaphore_mem>>
      %dma_start3A_33 = arith.constant 0 : i32
      %dma_start3A_34 = tpu.memref_slice %arg5[%add3A_10, %dma_start3A_33] : memref<4096x1024xf32, #tpu.memory_space<hbm>> -> memref<64x1024xf32, #tpu.memory_space<hbm>>
      %dma_start3A_35 = arith.constant 0 : i32
      %dma_start3A_36 = tpu.memref_slice %arg5[%add3A_10, %dma_start3A_35] : memref<4096x1024xf32, #tpu.memory_space<hbm>> -> memref<64x1024xf32, #tpu.memory_space<hbm>>
      tpu.enqueue_dma source(%arg8 : memref<64x1024xf32, #tpu.memory_space<vmem>>) target(%dma_start3A_36 : memref<64x1024xf32, #tpu.memory_space<hbm>>) target_semaphore(%run_scoped3A : memref<!tpu.dma_semaphore, #tpu.memory_space<semaphore_mem>>)
      %dma_wait3A_37 = arith.constant 0 : i32
      %dma_wait3A_38 = tpu.memref_slice %arg5[%add3A_10, %dma_wait3A_37] : memref<4096x1024xf32, #tpu.memory_space<hbm>> -> memref<64x1024xf32, #tpu.memory_space<hbm>>
      %dma_wait3A_39 = arith.constant 0 : i32
      %dma_wait3A_40 = tpu.memref_slice %arg5[%add3A_10, %dma_wait3A_39] : memref<4096x1024xf32, #tpu.memory_space<hbm>> -> memref<64x1024xf32, #tpu.memory_space<hbm>>
      tpu.wait_dma2 semaphore(%run_scoped3A : memref<!tpu.dma_semaphore, #tpu.memory_space<semaphore_mem>>) src(%arg8 : memref<64x1024xf32, #tpu.memory_space<vmem>>) dst(%dma_wait3A_40 : memref<64x1024xf32, #tpu.memory_space<hbm>>)
      tpu.yield
    }) : () -> ()
    %add3A_17 = arith.constant 0 : i32
    %add3A_18 = arith.addi %mul3A_2, %add3A_17 : i32
    "tpu.region"() ({
      %run_scoped3A = tpu.sem_alloc : memref<!tpu.dma_semaphore, #tpu.memory_space<semaphore_mem>>
      %dma_start3A_33 = tpu.memref_slice %arg4[%add3A_18] : memref<4096xi32, #tpu.memory_space<hbm>> -> memref<64xi32, #tpu.memory_space<hbm>>
      %dma_start3A_34 = tpu.memref_slice %arg4[%add3A_18] : memref<4096xi32, #tpu.memory_space<hbm>> -> memref<64xi32, #tpu.memory_space<hbm>>
      tpu.enqueue_dma source(%dma_start3A_34 : memref<64xi32, #tpu.memory_space<hbm>>) target(%arg7 : memref<64xi32, #tpu.memory_space<vmem>>) target_semaphore(%run_scoped3A : memref<!tpu.dma_semaphore, #tpu.memory_space<semaphore_mem>>)
      %dma_wait3A_35 = tpu.memref_slice %arg4[%add3A_18] : memref<4096xi32, #tpu.memory_space<hbm>> -> memref<64xi32, #tpu.memory_space<hbm>>
      %dma_wait3A_36 = tpu.memref_slice %arg4[%add3A_18] : memref<4096xi32, #tpu.memory_space<hbm>> -> memref<64xi32, #tpu.memory_space<hbm>>
      tpu.wait_dma2 semaphore(%run_scoped3A : memref<!tpu.dma_semaphore, #tpu.memory_space<semaphore_mem>>) src(%dma_wait3A_36 : memref<64xi32, #tpu.memory_space<hbm>>) dst(%arg7 : memref<64xi32, #tpu.memory_space<vmem>>)
      tpu.yield
    }) : () -> ()
    %dma_start3A_19 = arith.constant 0 : i32
    %dma_start3A_20 = arith.constant 0 : i32
    %dma_start3A_21 = tpu.memref_slice %arg2[%dma_start3A_19, %dma_start3A_20] : memref<10240x1024xf32, #tpu.memory_space<hbm>> -> memref<10240x1024xf32, #tpu.memory_space<hbm>>
    tpu.enqueue_indirect_dma source(%dma_start3A_21 : memref<10240x1024xf32, #tpu.memory_space<hbm>>) target(%arg8 : memref<64x1024xf32, #tpu.memory_space<vmem>>) offsets(%arg7 : memref<64xi32, #tpu.memory_space<vmem>>) semaphore(%arg9 : memref<!tpu.dma_semaphore, #tpu.memory_space<semaphore_mem>>)
    %dma_wait3A_22 = arith.constant 0 : i32
    %dma_wait3A_23 = arith.constant 0 : i32
    %dma_wait3A_24 = tpu.memref_slice %arg2[%dma_wait3A_22, %dma_wait3A_23] : memref<10240x1024xf32, #tpu.memory_space<hbm>> -> memref<10240x1024xf32, #tpu.memory_space<hbm>>
    tpu.wait_indirect_dma semaphore(%arg9 : memref<!tpu.dma_semaphore, #tpu.memory_space<semaphore_mem>>) src(%dma_wait3A_24 : memref<10240x1024xf32, #tpu.memory_space<hbm>>) dst(%arg8 : memref<64x1024xf32, #tpu.memory_space<vmem>>)
    "tpu.region"() ({
      %run_scoped3A = tpu.sem_alloc : memref<!tpu.dma_semaphore, #tpu.memory_space<semaphore_mem>>
      %dma_start3A_33 = arith.constant 0 : i32
      %dma_start3A_34 = tpu.memref_slice %arg6[%add3A_18, %dma_start3A_33] : memref<4096x1024xf32, #tpu.memory_space<hbm>> -> memref<64x1024xf32, #tpu.memory_space<hbm>>
      %dma_start3A_35 = arith.constant 0 : i32
      %dma_start3A_36 = tpu.memref_slice %arg6[%add3A_18, %dma_start3A_35] : memref<4096x1024xf32, #tpu.memory_space<hbm>> -> memref<64x1024xf32, #tpu.memory_space<hbm>>
      tpu.enqueue_dma source(%arg8 : memref<64x1024xf32, #tpu.memory_space<vmem>>) target(%dma_start3A_36 : memref<64x1024xf32, #tpu.memory_space<hbm>>) target_semaphore(%run_scoped3A : memref<!tpu.dma_semaphore, #tpu.memory_space<semaphore_mem>>)
      %dma_wait3A_37 = arith.constant 0 : i32
      %dma_wait3A_38 = tpu.memref_slice %arg6[%add3A_18, %dma_wait3A_37] : memref<4096x1024xf32, #tpu.memory_space<hbm>> -> memref<64x1024xf32, #tpu.memory_space<hbm>>
      %dma_wait3A_39 = arith.constant 0 : i32
      %dma_wait3A_40 = tpu.memref_slice %arg6[%add3A_18, %dma_wait3A_39] : memref<4096x1024xf32, #tpu.memory_space<hbm>> -> memref<64x1024xf32, #tpu.memory_space<hbm>>
      tpu.wait_dma2 semaphore(%run_scoped3A : memref<!tpu.dma_semaphore, #tpu.memory_space<semaphore_mem>>) src(%arg8 : memref<64x1024xf32, #tpu.memory_space<vmem>>) dst(%dma_wait3A_40 : memref<64x1024xf32, #tpu.memory_space<hbm>>)
      tpu.yield
    }) : () -> ()
    %add3A_25 = arith.constant 64 : i32
    %add3A_26 = arith.addi %mul3A_2, %add3A_25 : i32
    "tpu.region"() ({
      %run_scoped3A = tpu.sem_alloc : memref<!tpu.dma_semaphore, #tpu.memory_space<semaphore_mem>>
      %dma_start3A_33 = tpu.memref_slice %arg4[%add3A_26] : memref<4096xi32, #tpu.memory_space<hbm>> -> memref<64xi32, #tpu.memory_space<hbm>>
      %dma_start3A_34 = tpu.memref_slice %arg4[%add3A_26] : memref<4096xi32, #tpu.memory_space<hbm>> -> memref<64xi32, #tpu.memory_space<hbm>>
      tpu.enqueue_dma source(%dma_start3A_34 : memref<64xi32, #tpu.memory_space<hbm>>) target(%arg7 : memref<64xi32, #tpu.memory_space<vmem>>) target_semaphore(%run_scoped3A : memref<!tpu.dma_semaphore, #tpu.memory_space<semaphore_mem>>)
      %dma_wait3A_35 = tpu.memref_slice %arg4[%add3A_26] : memref<4096xi32, #tpu.memory_space<hbm>> -> memref<64xi32, #tpu.memory_space<hbm>>
      %dma_wait3A_36 = tpu.memref_slice %arg4[%add3A_26] : memref<4096xi32, #tpu.memory_space<hbm>> -> memref<64xi32, #tpu.memory_space<hbm>>
      tpu.wait_dma2 semaphore(%run_scoped3A : memref<!tpu.dma_semaphore, #tpu.memory_space<semaphore_mem>>) src(%dma_wait3A_36 : memref<64xi32, #tpu.memory_space<hbm>>) dst(%arg7 : memref<64xi32, #tpu.memory_space<vmem>>)
      tpu.yield
    }) : () -> ()
    %dma_start3A_27 = arith.constant 0 : i32
    %dma_start3A_28 = arith.constant 0 : i32
    %dma_start3A_29 = tpu.memref_slice %arg2[%dma_start3A_27, %dma_start3A_28] : memref<10240x1024xf32, #tpu.memory_space<hbm>> -> memref<10240x1024xf32, #tpu.memory_space<hbm>>
    tpu.enqueue_indirect_dma source(%dma_start3A_29 : memref<10240x1024xf32, #tpu.memory_space<hbm>>) target(%arg8 : memref<64x1024xf32, #tpu.memory_space<vmem>>) offsets(%arg7 : memref<64xi32, #tpu.memory_space<vmem>>) semaphore(%arg9 : memref<!tpu.dma_semaphore, #tpu.memory_space<semaphore_mem>>)
    %dma_wait3A_30 = arith.constant 0 : i32
    %dma_wait3A_31 = arith.constant 0 : i32
    %dma_wait3A_32 = tpu.memref_slice %arg2[%dma_wait3A_30, %dma_wait3A_31] : memref<10240x1024xf32, #tpu.memory_space<hbm>> -> memref<10240x1024xf32, #tpu.memory_space<hbm>>
    tpu.wait_indirect_dma semaphore(%arg9 : memref<!tpu.dma_semaphore, #tpu.memory_space<semaphore_mem>>) src(%dma_wait3A_32 : memref<10240x1024xf32, #tpu.memory_space<hbm>>) dst(%arg8 : memref<64x1024xf32, #tpu.memory_space<vmem>>)
    "tpu.region"() ({
      %run_scoped3A = tpu.sem_alloc : memref<!tpu.dma_semaphore, #tpu.memory_space<semaphore_mem>>
      %dma_start3A_33 = arith.constant 0 : i32
      %dma_start3A_34 = tpu.memref_slice %arg6[%add3A_26, %dma_start3A_33] : memref<4096x1024xf32, #tpu.memory_space<hbm>> -> memref<64x1024xf32, #tpu.memory_space<hbm>>
      %dma_start3A_35 = arith.constant 0 : i32
      %dma_start3A_36 = tpu.memref_slice %arg6[%add3A_26, %dma_start3A_35] : memref<4096x1024xf32, #tpu.memory_space<hbm>> -> memref<64x1024xf32, #tpu.memory_space<hbm>>
      tpu.enqueue_dma source(%arg8 : memref<64x1024xf32, #tpu.memory_space<vmem>>) target(%dma_start3A_36 : memref<64x1024xf32, #tpu.memory_space<hbm>>) target_semaphore(%run_scoped3A : memref<!tpu.dma_semaphore, #tpu.memory_space<semaphore_mem>>)
      %dma_wait3A_37 = arith.constant 0 : i32
      %dma_wait3A_38 = tpu.memref_slice %arg6[%add3A_26, %dma_wait3A_37] : memref<4096x1024xf32, #tpu.memory_space<hbm>> -> memref<64x1024xf32, #tpu.memory_space<hbm>>
      %dma_wait3A_39 = arith.constant 0 : i32
      %dma_wait3A_40 = tpu.memref_slice %arg6[%add3A_26, %dma_wait3A_39] : memref<4096x1024xf32, #tpu.memory_space<hbm>> -> memref<64x1024xf32, #tpu.memory_space<hbm>>
      tpu.wait_dma2 semaphore(%run_scoped3A : memref<!tpu.dma_semaphore, #tpu.memory_space<semaphore_mem>>) src(%arg8 : memref<64x1024xf32, #tpu.memory_space<vmem>>) dst(%dma_wait3A_40 : memref<64x1024xf32, #tpu.memory_space<hbm>>)
      tpu.yield
    }) : () -> ()
    return
  }
}

#map = affine_map<(d0, d1) -> (0, 0)>
#map1 = affine_map<(d0, d1) -> (0)>
module attributes {stable_mosaic.version = 14 : i64} {
  func.func @_sc_dispatch_kernel(%arg0: i32, %arg1: i32, %arg2: memref<4096x512xi32, #tpu.memory_space<hbm>>, %arg3: memref<4096xi32, #tpu.memory_space<hbm>>, %arg4: memref<4096xi32, #tpu.memory_space<hbm>>, %arg5: memref<10240x512xi32, #tpu.memory_space<hbm>>, %arg6: memref<128xi32, #tpu.memory_space<vmem>>, %arg7: memref<128xi32, #tpu.memory_space<vmem>>, %arg8: memref<128x512xi32, #tpu.memory_space<vmem>>, %arg9: memref<!tpu.dma_semaphore, #tpu.memory_space<semaphore_mem>>, %arg10: memref<!tpu.dma_semaphore, #tpu.memory_space<semaphore_mem>>) attributes {dimension_semantics = [#tpu.dimension_semantics<core_parallel>, #tpu.dimension_semantics<subcore_parallel>], iteration_bounds = array<i64: 2, 16>, scalar_prefetch = 0 : i64, scratch_operands = 5 : i64, tpu.core_type = #tpu.core_type<sc_vector_subcore>, window_params = [{transform_indices = #map}, {transform_indices = #map1}, {transform_indices = #map1}, {transform_indices = #map}]} {
    %mul3A = arith.constant 2 : i32
    %mul3A_0 = arith.muli %arg1, %mul3A : i32
    %add3A = arith.addi %mul3A_0, %arg0 : i32
    %mul3A_1 = arith.constant 128 : i32
    %mul3A_2 = arith.muli %add3A, %mul3A_1 : i32
    "tpu.region"() ({
      %run_scoped3A = tpu.sem_alloc : memref<!tpu.dma_semaphore, #tpu.memory_space<semaphore_mem>>
      %dma_start3A_13 = tpu.memref_slice %arg3[%mul3A_2] : memref<4096xi32, #tpu.memory_space<hbm>> -> memref<128xi32, #tpu.memory_space<hbm>>
      %dma_start3A_14 = tpu.memref_slice %arg3[%mul3A_2] : memref<4096xi32, #tpu.memory_space<hbm>> -> memref<128xi32, #tpu.memory_space<hbm>>
      tpu.enqueue_dma source(%dma_start3A_14 : memref<128xi32, #tpu.memory_space<hbm>>) target(%arg6 : memref<128xi32, #tpu.memory_space<vmem>>) target_semaphore(%run_scoped3A : memref<!tpu.dma_semaphore, #tpu.memory_space<semaphore_mem>>)
      %dma_wait3A_15 = tpu.memref_slice %arg3[%mul3A_2] : memref<4096xi32, #tpu.memory_space<hbm>> -> memref<128xi32, #tpu.memory_space<hbm>>
      %dma_wait3A_16 = tpu.memref_slice %arg3[%mul3A_2] : memref<4096xi32, #tpu.memory_space<hbm>> -> memref<128xi32, #tpu.memory_space<hbm>>
      tpu.wait_dma2 semaphore(%run_scoped3A : memref<!tpu.dma_semaphore, #tpu.memory_space<semaphore_mem>>) src(%dma_wait3A_16 : memref<128xi32, #tpu.memory_space<hbm>>) dst(%arg6 : memref<128xi32, #tpu.memory_space<vmem>>)
      tpu.yield
    }) : () -> ()
    "tpu.region"() ({
      %run_scoped3A = tpu.sem_alloc : memref<!tpu.dma_semaphore, #tpu.memory_space<semaphore_mem>>
      %dma_start3A_13 = tpu.memref_slice %arg4[%mul3A_2] : memref<4096xi32, #tpu.memory_space<hbm>> -> memref<128xi32, #tpu.memory_space<hbm>>
      %dma_start3A_14 = tpu.memref_slice %arg4[%mul3A_2] : memref<4096xi32, #tpu.memory_space<hbm>> -> memref<128xi32, #tpu.memory_space<hbm>>
      tpu.enqueue_dma source(%dma_start3A_14 : memref<128xi32, #tpu.memory_space<hbm>>) target(%arg7 : memref<128xi32, #tpu.memory_space<vmem>>) target_semaphore(%run_scoped3A : memref<!tpu.dma_semaphore, #tpu.memory_space<semaphore_mem>>)
      %dma_wait3A_15 = tpu.memref_slice %arg4[%mul3A_2] : memref<4096xi32, #tpu.memory_space<hbm>> -> memref<128xi32, #tpu.memory_space<hbm>>
      %dma_wait3A_16 = tpu.memref_slice %arg4[%mul3A_2] : memref<4096xi32, #tpu.memory_space<hbm>> -> memref<128xi32, #tpu.memory_space<hbm>>
      tpu.wait_dma2 semaphore(%run_scoped3A : memref<!tpu.dma_semaphore, #tpu.memory_space<semaphore_mem>>) src(%dma_wait3A_16 : memref<128xi32, #tpu.memory_space<hbm>>) dst(%arg7 : memref<128xi32, #tpu.memory_space<vmem>>)
      tpu.yield
    }) : () -> ()
    "tpu.region"() ({
      %run_scoped3A = tpu.sem_alloc : memref<!tpu.dma_semaphore, #tpu.memory_space<semaphore_mem>>
      %dma_start3A_13 = arith.constant 0 : i32
      %dma_start3A_14 = tpu.memref_slice %arg2[%mul3A_2, %dma_start3A_13] : memref<4096x512xi32, #tpu.memory_space<hbm>> -> memref<128x512xi32, #tpu.memory_space<hbm>>
      %dma_start3A_15 = arith.constant 0 : i32
      %dma_start3A_16 = tpu.memref_slice %arg2[%mul3A_2, %dma_start3A_15] : memref<4096x512xi32, #tpu.memory_space<hbm>> -> memref<128x512xi32, #tpu.memory_space<hbm>>
      tpu.enqueue_dma source(%dma_start3A_16 : memref<128x512xi32, #tpu.memory_space<hbm>>) target(%arg8 : memref<128x512xi32, #tpu.memory_space<vmem>>) target_semaphore(%run_scoped3A : memref<!tpu.dma_semaphore, #tpu.memory_space<semaphore_mem>>)
      %dma_wait3A_17 = arith.constant 0 : i32
      %dma_wait3A_18 = tpu.memref_slice %arg2[%mul3A_2, %dma_wait3A_17] : memref<4096x512xi32, #tpu.memory_space<hbm>> -> memref<128x512xi32, #tpu.memory_space<hbm>>
      %dma_wait3A_19 = arith.constant 0 : i32
      %dma_wait3A_20 = tpu.memref_slice %arg2[%mul3A_2, %dma_wait3A_19] : memref<4096x512xi32, #tpu.memory_space<hbm>> -> memref<128x512xi32, #tpu.memory_space<hbm>>
      tpu.wait_dma2 semaphore(%run_scoped3A : memref<!tpu.dma_semaphore, #tpu.memory_space<semaphore_mem>>) src(%dma_wait3A_20 : memref<128x512xi32, #tpu.memory_space<hbm>>) dst(%arg8 : memref<128x512xi32, #tpu.memory_space<vmem>>)
      tpu.yield
    }) : () -> ()
    %dma_start3A = arith.constant 0 : i32
    %dma_start3A_3 = arith.constant 0 : i32
    %dma_start3A_4 = tpu.memref_slice %arg5[%dma_start3A, %dma_start3A_3] : memref<10240x512xi32, #tpu.memory_space<hbm>> -> memref<10240x512xi32, #tpu.memory_space<hbm>>
    tpu.enqueue_indirect_dma source(%arg8 : memref<128x512xi32, #tpu.memory_space<vmem>>) target(%dma_start3A_4 : memref<10240x512xi32, #tpu.memory_space<hbm>>) offsets(%arg6 : memref<128xi32, #tpu.memory_space<vmem>>) semaphore(%arg9 : memref<!tpu.dma_semaphore, #tpu.memory_space<semaphore_mem>>)
    %dma_start3A_5 = arith.constant 0 : i32
    %dma_start3A_6 = arith.constant 0 : i32
    %dma_start3A_7 = tpu.memref_slice %arg5[%dma_start3A_5, %dma_start3A_6] : memref<10240x512xi32, #tpu.memory_space<hbm>> -> memref<10240x512xi32, #tpu.memory_space<hbm>>
    tpu.enqueue_indirect_dma source(%arg8 : memref<128x512xi32, #tpu.memory_space<vmem>>) target(%dma_start3A_7 : memref<10240x512xi32, #tpu.memory_space<hbm>>) offsets(%arg7 : memref<128xi32, #tpu.memory_space<vmem>>) semaphore(%arg10 : memref<!tpu.dma_semaphore, #tpu.memory_space<semaphore_mem>>)
    %dma_wait3A = arith.constant 0 : i32
    %dma_wait3A_8 = arith.constant 0 : i32
    %dma_wait3A_9 = tpu.memref_slice %arg5[%dma_wait3A, %dma_wait3A_8] : memref<10240x512xi32, #tpu.memory_space<hbm>> -> memref<10240x512xi32, #tpu.memory_space<hbm>>
    tpu.wait_indirect_dma semaphore(%arg9 : memref<!tpu.dma_semaphore, #tpu.memory_space<semaphore_mem>>) src(%arg8 : memref<128x512xi32, #tpu.memory_space<vmem>>) dst(%dma_wait3A_9 : memref<10240x512xi32, #tpu.memory_space<hbm>>)
    %dma_wait3A_10 = arith.constant 0 : i32
    %dma_wait3A_11 = arith.constant 0 : i32
    %dma_wait3A_12 = tpu.memref_slice %arg5[%dma_wait3A_10, %dma_wait3A_11] : memref<10240x512xi32, #tpu.memory_space<hbm>> -> memref<10240x512xi32, #tpu.memory_space<hbm>>
    tpu.wait_indirect_dma semaphore(%arg10 : memref<!tpu.dma_semaphore, #tpu.memory_space<semaphore_mem>>) src(%arg8 : memref<128x512xi32, #tpu.memory_space<vmem>>) dst(%dma_wait3A_12 : memref<10240x512xi32, #tpu.memory_space<hbm>>)
    return
  }
}

module attributes {stable_mosaic.version = 14 : i64} {
  func.func @_count_kernel(%arg0: i32, %arg1: memref<1024x1024xf32, #tpu.memory_space<vmem>>, %arg2: memref<8x1024xbf16, #tpu.memory_space<vmem>>, %arg3: memref<1x8xf32, #tpu.memory_space<vmem>>, %arg4: memref<1x2x8xf32, #tpu.memory_space<vmem>>) attributes {dimension_semantics = [#tpu.dimension_semantics<arbitrary>], iteration_bounds = array<i64: 4>, scalar_prefetch = 0 : i64, scratch_operands = 0 : i64, tpu.core_type = #tpu.core_type<tc>, window_params = [{transform_indices = @transform_0, window_bounds = array<i64: 1024, 1024>}, {pipeline_mode = #tpu.pipeline_mode<synchronous>, transform_indices = @transform_1, window_bounds = array<i64: 8, 1024>}, {pipeline_mode = #tpu.pipeline_mode<synchronous>, transform_indices = @transform_2, window_bounds = array<i64: 1, 8>}, {transform_indices = @transform_3, window_bounds = array<i64: 1, 2, 8>}]} {
    %get3A = arith.constant 0 : index
    %get3A_0 = arith.constant 0 : index
    %get3A_1 = vector.load %arg1[%get3A, %get3A_0] : memref<1024x1024xf32, #tpu.memory_space<vmem>>, vector<1024x1024xf32>
    %convert_element_type3A = arith.truncf %get3A_1 : vector<1024x1024xf32> to vector<1024x1024xbf16>
    %get3A_2 = arith.constant 0 : index
    %get3A_3 = arith.constant 0 : index
    %get3A_4 = vector.load %arg2[%get3A_2, %get3A_3] : memref<8x1024xbf16, #tpu.memory_space<vmem>>, vector<8x1024xbf16>
    %dot_general3A = arith.constant dense<0.000000e+00> : vector<1024x8xf32>
    %dot_general3A_5 = tpu.matmul %convert_element_type3A, %get3A_4, %dot_general3A {dimension_numbers = #tpu.dot_dimension_numbers<[1], [1], [0], [0], [0, 0, 1, 0], [], []>, transpose_lhs_hint = false} : vector<1024x1024xbf16>, vector<8x1024xbf16>, vector<1024x8xf32> -> vector<1024x8xf32>
    %get3A_6 = arith.constant 0 : index
    %get3A_7 = arith.constant 0 : index
    %get3A_8 = vector.load %arg3[%get3A_6, %get3A_7] : memref<1x8xf32, #tpu.memory_space<vmem>>, vector<1x8xf32>
    %add3A = vector.broadcast %get3A_8 : vector<1x8xf32> to vector<1024x8xf32>
    %add3A_9 = arith.addf %dot_general3A_5, %add3A : vector<1024x8xf32>
    %iota3A = tpu.iota {dimensions = array<i32: 1>} : vector<1024x8xi32>
    %argmax3A = tpu.reduce_index %add3A_9 {axis = 1 : i32, kind = #tpu.reduction_kind<arg_max>} : vector<1024x8xf32> -> vector<1024xi32>
    %broadcast_in_dim3A = vector.shape_cast %argmax3A : vector<1024xi32> to vector<1024x1xi32>
    %eq3A = vector.broadcast %broadcast_in_dim3A : vector<1024x1xi32> to vector<1024x8xi32>
    %eq3A_10 = arith.cmpi eq, %iota3A, %eq3A : vector<1024x8xi32>
    %jit3A = arith.constant 0xFF800000 : f32
    %broadcast_in_dim3A_11 = vector.broadcast %jit3A : f32 to vector<1024x8xf32>
    %select_n3A = arith.select %eq3A_10, %broadcast_in_dim3A_11, %add3A_9 : vector<1024x8xi1>, vector<1024x8xf32>
    %argmax3A_12 = tpu.reduce_index %select_n3A {axis = 1 : i32, kind = #tpu.reduction_kind<arg_max>} : vector<1024x8xf32> -> vector<1024xi32>
    %broadcast_in_dim3A_13 = vector.shape_cast %argmax3A : vector<1024xi32> to vector<1024x1xi32>
    %eq3A_14 = vector.broadcast %broadcast_in_dim3A_13 : vector<1024x1xi32> to vector<1024x8xi32>
    %eq3A_15 = arith.cmpi eq, %iota3A, %eq3A_14 : vector<1024x8xi32>
    %convert_element_type3A_16 = arith.extui %eq3A_15 : vector<1024x8xi1> to vector<1024x8xi32>
    %convert_element_type3A_17 = arith.sitofp %convert_element_type3A_16 : vector<1024x8xi32> to vector<1024x8xf32>
    %broadcast_in_dim3A_18 = vector.shape_cast %argmax3A_12 : vector<1024xi32> to vector<1024x1xi32>
    %eq3A_19 = vector.broadcast %broadcast_in_dim3A_18 : vector<1024x1xi32> to vector<1024x8xi32>
    %eq3A_20 = arith.cmpi eq, %iota3A, %eq3A_19 : vector<1024x8xi32>
    %convert_element_type3A_21 = arith.extui %eq3A_20 : vector<1024x8xi1> to vector<1024x8xi32>
    %convert_element_type3A_22 = arith.sitofp %convert_element_type3A_21 : vector<1024x8xi32> to vector<1024x8xf32>
    %reduce_sum3A = arith.constant dense<0.000000e+00> : vector<8xf32>
    %reduce_sum3A_23 = vector.multi_reduction <add>, %convert_element_type3A_17, %reduce_sum3A [0] : vector<1024x8xf32> to vector<8xf32>
    %broadcast_in_dim3A_24 = vector.shape_cast %reduce_sum3A_23 : vector<8xf32> to vector<1x8xf32>
    %broadcast_in_dim3A_25 = vector.shape_cast %broadcast_in_dim3A_24 : vector<1x8xf32> to vector<1x1x8xf32>
    %swap3A = arith.constant 0 : index
    %swap3A_26 = arith.constant 0 : index
    %swap3A_27 = arith.constant 0 : index
    %swap3A_28 = vector.load %arg4[%swap3A, %swap3A_26, %swap3A_27] : memref<1x2x8xf32, #tpu.memory_space<vmem>>, vector<1x1x8xf32>
    tpu.vector_store %arg4[%swap3A, %swap3A_26, %swap3A_27], %broadcast_in_dim3A_25 {strides = array<i32>} : memref<1x2x8xf32, #tpu.memory_space<vmem>>, vector<1x1x8xf32>,
    %reduce_sum3A_29 = arith.constant dense<0.000000e+00> : vector<8xf32>
    %reduce_sum3A_30 = vector.multi_reduction <add>, %convert_element_type3A_22, %reduce_sum3A_29 [0] : vector<1024x8xf32> to vector<8xf32>
    %broadcast_in_dim3A_31 = vector.shape_cast %reduce_sum3A_30 : vector<8xf32> to vector<1x8xf32>
    %broadcast_in_dim3A_32 = vector.shape_cast %broadcast_in_dim3A_31 : vector<1x8xf32> to vector<1x1x8xf32>
    %swap3A_33 = arith.constant 0 : index
    %swap3A_34 = arith.constant 1 : index
    %swap3A_35 = arith.constant 0 : index
    %swap3A_36 = vector.load %arg4[%swap3A_33, %swap3A_34, %swap3A_35] : memref<1x2x8xf32, #tpu.memory_space<vmem>>, vector<1x1x8xf32>
    tpu.vector_store %arg4[%swap3A_33, %swap3A_34, %swap3A_35], %broadcast_in_dim3A_32 {strides = array<i32>} : memref<1x2x8xf32, #tpu.memory_space<vmem>>, vector<1x1x8xf32>,
    return
  }
  func.func @transform_0(%arg0: i32) -> (i32, i32) {
    %c0_i32 = arith.constant 0 : i32
    %c0_i32_0 = arith.constant 0 : i32
    return %arg0, %c0_i32 : i32, i32
  }
  func.func @transform_1(%arg0: i32) -> (i32, i32) {
    %c0_i32 = arith.constant 0 : i32
    %c0_i32_0 = arith.constant 0 : i32
    %c0_i32_1 = arith.constant 0 : i32
    return %c0_i32, %c0_i32_0 : i32, i32
  }
  func.func @transform_2(%arg0: i32) -> (i32, i32) {
    %c0_i32 = arith.constant 0 : i32
    %c0_i32_0 = arith.constant 0 : i32
    %c0_i32_1 = arith.constant 0 : i32
    return %c0_i32, %c0_i32_0 : i32, i32
  }
  func.func @transform_3(%arg0: i32) -> (i32, i32, i32) {
    %c0_i32 = arith.constant 0 : i32
    %c0_i32_0 = arith.constant 0 : i32
    %c0_i32_1 = arith.constant 0 : i32
    return %arg0, %c0_i32, %c0_i32_0 : i32, i32, i32
  }
}

module attributes {stable_mosaic.version = 14 : i64} {
  func.func @_slots_kernel(%arg0: i32, %arg1: memref<1024x1024xbf16, #tpu.memory_space<vmem>>, %arg2: memref<4x2x8xf32, #tpu.memory_space<vmem>>, %arg3: memref<1024x1024xf32, #tpu.memory_space<vmem>>, %arg4: memref<8x1024xbf16, #tpu.memory_space<vmem>>, %arg5: memref<1x8xf32, #tpu.memory_space<vmem>>, %arg6: memref<1024x1xi32, #tpu.memory_space<vmem>>, %arg7: memref<1024x1xi32, #tpu.memory_space<vmem>>, %arg8: memref<1024x1xf32, #tpu.memory_space<vmem>>, %arg9: memref<1024x1xf32, #tpu.memory_space<vmem>>, %arg10: memref<1x40xi32, #tpu.memory_space<vmem>>) attributes {dimension_semantics = [#tpu.dimension_semantics<arbitrary>], iteration_bounds = array<i64: 4>, scalar_prefetch = 0 : i64, scratch_operands = 0 : i64, tpu.core_type = #tpu.core_type<tc>, window_params = [{pipeline_mode = #tpu.pipeline_mode<synchronous>, transform_indices = @transform_0, window_bounds = array<i64: 1024, 1024>}, {pipeline_mode = #tpu.pipeline_mode<synchronous>, transform_indices = @transform_1, window_bounds = array<i64: 4, 2, 8>}, {transform_indices = @transform_2, window_bounds = array<i64: 1024, 1024>}, {pipeline_mode = #tpu.pipeline_mode<synchronous>, transform_indices = @transform_3, window_bounds = array<i64: 8, 1024>}, {pipeline_mode = #tpu.pipeline_mode<synchronous>, transform_indices = @transform_4, window_bounds = array<i64: 1, 8>}, {transform_indices = @transform_5, window_bounds = array<i64: 1024, 1>}, {transform_indices = @transform_6, window_bounds = array<i64: 1024, 1>}, {transform_indices = @transform_7, window_bounds = array<i64: 1024, 1>}, {transform_indices = @transform_8, window_bounds = array<i64: 1024, 1>}, {pipeline_mode = #tpu.pipeline_mode<synchronous>, transform_indices = @transform_9, window_bounds = array<i64: 1, 40>}]} {
    %get3A = arith.constant 0 : index
    %get3A_0 = arith.constant 0 : index
    %get3A_1 = vector.load %arg3[%get3A, %get3A_0] : memref<1024x1024xf32, #tpu.memory_space<vmem>>, vector<1024x1024xf32>
    %convert_element_type3A = arith.truncf %get3A_1 : vector<1024x1024xf32> to vector<1024x1024xbf16>
    %get3A_2 = arith.constant 0 : index
    %get3A_3 = arith.constant 0 : index
    %get3A_4 = vector.load %arg4[%get3A_2, %get3A_3] : memref<8x1024xbf16, #tpu.memory_space<vmem>>, vector<8x1024xbf16>
    %dot_general3A = arith.constant dense<0.000000e+00> : vector<1024x8xf32>
    %dot_general3A_5 = tpu.matmul %convert_element_type3A, %get3A_4, %dot_general3A {dimension_numbers = #tpu.dot_dimension_numbers<[1], [1], [0], [0], [0, 0, 1, 0], [], []>, transpose_lhs_hint = false} : vector<1024x1024xbf16>, vector<8x1024xbf16>, vector<1024x8xf32> -> vector<1024x8xf32>
    %get3A_6 = arith.constant 0 : index
    %get3A_7 = arith.constant 0 : index
    %get3A_8 = vector.load %arg5[%get3A_6, %get3A_7] : memref<1x8xf32, #tpu.memory_space<vmem>>, vector<1x8xf32>
    %add3A = vector.broadcast %get3A_8 : vector<1x8xf32> to vector<1024x8xf32>
    %add3A_9 = arith.addf %dot_general3A_5, %add3A : vector<1024x8xf32>
    %iota3A = tpu.iota {dimensions = array<i32: 1>} : vector<1024x8xi32>
    %reduce_max3A = arith.constant dense<0xFF800000> : vector<1024xf32>
    %reduce_max3A_10 = vector.multi_reduction <maximumf>, %add3A_9, %reduce_max3A [1] : vector<1024x8xf32> to vector<1024xf32>
    %broadcast_in_dim3A = vector.shape_cast %reduce_max3A_10 : vector<1024xf32> to vector<1024x1xf32>
    %argmax3A = tpu.reduce_index %add3A_9 {axis = 1 : i32, kind = #tpu.reduction_kind<arg_max>} : vector<1024x8xf32> -> vector<1024xi32>
    %broadcast_in_dim3A_11 = vector.shape_cast %argmax3A : vector<1024xi32> to vector<1024x1xi32>
    %eq3A = vector.broadcast %broadcast_in_dim3A_11 : vector<1024x1xi32> to vector<1024x8xi32>
    %eq3A_12 = arith.cmpi eq, %iota3A, %eq3A : vector<1024x8xi32>
    %jit3A = arith.constant 0xFF800000 : f32
    %broadcast_in_dim3A_13 = vector.broadcast %jit3A : f32 to vector<1024x8xf32>
    %select_n3A = arith.select %eq3A_12, %broadcast_in_dim3A_13, %add3A_9 : vector<1024x8xi1>, vector<1024x8xf32>
    %reduce_max3A_14 = arith.constant dense<0xFF800000> : vector<1024xf32>
    %reduce_max3A_15 = vector.multi_reduction <maximumf>, %select_n3A, %reduce_max3A_14 [1] : vector<1024x8xf32> to vector<1024xf32>
    %broadcast_in_dim3A_16 = vector.shape_cast %reduce_max3A_15 : vector<1024xf32> to vector<1024x1xf32>
    %argmax3A_17 = tpu.reduce_index %select_n3A {axis = 1 : i32, kind = #tpu.reduction_kind<arg_max>} : vector<1024x8xf32> -> vector<1024xi32>
    %broadcast_in_dim3A_18 = vector.shape_cast %argmax3A : vector<1024xi32> to vector<1024x1xi32>
    %eq3A_19 = vector.broadcast %broadcast_in_dim3A_18 : vector<1024x1xi32> to vector<1024x8xi32>
    %eq3A_20 = arith.cmpi eq, %iota3A, %eq3A_19 : vector<1024x8xi32>
    %convert_element_type3A_21 = arith.extui %eq3A_20 : vector<1024x8xi1> to vector<1024x8xi32>
    %convert_element_type3A_22 = arith.sitofp %convert_element_type3A_21 : vector<1024x8xi32> to vector<1024x8xf32>
    %broadcast_in_dim3A_23 = vector.shape_cast %argmax3A_17 : vector<1024xi32> to vector<1024x1xi32>
    %eq3A_24 = vector.broadcast %broadcast_in_dim3A_23 : vector<1024x1xi32> to vector<1024x8xi32>
    %eq3A_25 = arith.cmpi eq, %iota3A, %eq3A_24 : vector<1024x8xi32>
    %convert_element_type3A_26 = arith.extui %eq3A_25 : vector<1024x8xi1> to vector<1024x8xi32>
    %convert_element_type3A_27 = arith.sitofp %convert_element_type3A_26 : vector<1024x8xi32> to vector<1024x8xf32>
    %get3A_28 = arith.constant 0 : index
    %get3A_29 = arith.constant 0 : index
    %get3A_30 = arith.constant 0 : index
    %get3A_31 = vector.load %arg2[%get3A_28, %get3A_29, %get3A_30] : memref<4x2x8xf32, #tpu.memory_space<vmem>>, vector<4x2x8xf32>
    %slice3A = vector.extract_strided_slice %get3A_31 {offsets = [0, 0, 0], sizes = [4, 1, 8], strides = [1, 1, 1]} : vector<4x2x8xf32> to vector<4x1x8xf32>
    %squeeze3A = vector.shape_cast %slice3A : vector<4x1x8xf32> to vector<4x8xf32>
    %slice3A_32 = vector.extract_strided_slice %get3A_31 {offsets = [0, 1, 0], sizes = [4, 1, 8], strides = [1, 1, 1]} : vector<4x2x8xf32> to vector<4x1x8xf32>
    %squeeze3A_33 = vector.shape_cast %slice3A_32 : vector<4x1x8xf32> to vector<4x8xf32>
    %reduce_sum3A = arith.constant dense<0.000000e+00> : vector<8xf32>
    %reduce_sum3A_34 = vector.multi_reduction <add>, %squeeze3A, %reduce_sum3A [0] : vector<4x8xf32> to vector<8xf32>
    %broadcast_in_dim3A_35 = vector.shape_cast %reduce_sum3A_34 : vector<8xf32> to vector<1x8xf32>
    %reduce_sum3A_36 = arith.constant dense<0.000000e+00> : vector<8xf32>
    %reduce_sum3A_37 = vector.multi_reduction <add>, %squeeze3A_33, %reduce_sum3A_36 [0] : vector<4x8xf32> to vector<8xf32>
    %broadcast_in_dim3A_38 = vector.shape_cast %reduce_sum3A_37 : vector<8xf32> to vector<1x8xf32>
    %add3A_39 = arith.addf %broadcast_in_dim3A_35, %broadcast_in_dim3A_38 : vector<1x8xf32>
    %mul3A = arith.constant 3.906250e-03 : f32
    %mul3A_40 = vector.broadcast %mul3A : f32 to vector<1x8xf32>
    %mul3A_41 = arith.mulf %add3A_39, %mul3A_40 : vector<1x8xf32>
    %ceil3A = math.ceil %mul3A_41 : vector<1x8xf32>
    %mul3A_42 = arith.constant 2.560000e+02 : f32
    %mul3A_43 = vector.broadcast %mul3A_42 : f32 to vector<1x8xf32>
    %mul3A_44 = arith.mulf %ceil3A, %mul3A_43 : vector<1x8xf32>
    %iota3A_45 = tpu.iota {dimensions = array<i32: 0>} : vector<8x8xi32>
    %iota3A_46 = tpu.iota {dimensions = array<i32: 1>} : vector<8x8xi32>
    %lt3A = arith.cmpi slt, %iota3A_45, %iota3A_46 : vector<8x8xi32>
    %convert_element_type3A_47 = arith.extui %lt3A : vector<8x8xi1> to vector<8x8xi32>
    %convert_element_type3A_48 = arith.sitofp %convert_element_type3A_47 : vector<8x8xi32> to vector<8x8xf32>
    %dot_general3A_49 = arith.constant dense<0.000000e+00> : vector<1x8xf32>
    %dot_general3A_50 = tpu.matmul %mul3A_44, %convert_element_type3A_48, %dot_general3A_49 {dimension_numbers = #tpu.dot_dimension_numbers<[1], [0], [0], [1], [0, 0, 1, 1], [], []>, precision = #tpu.contract_precision<fp32>, transpose_lhs_hint = false} : vector<1x8xf32>, vector<8x8xf32>, vector<1x8xf32> -> vector<1x8xf32>
    %iota3A_51 = tpu.iota {dimensions = array<i32: 0>} : vector<4x8xi32>
    %lt3A_52 = vector.broadcast %arg0 : i32 to vector<4x8xi32>
    %lt3A_53 = arith.cmpi slt, %iota3A_51, %lt3A_52 : vector<4x8xi32>
    %convert_element_type3A_54 = arith.extui %lt3A_53 : vector<4x8xi1> to vector<4x8xi32>
    %convert_element_type3A_55 = arith.sitofp %convert_element_type3A_54 : vector<4x8xi32> to vector<4x8xf32>
    %mul3A_56 = arith.mulf %squeeze3A, %convert_element_type3A_55 : vector<4x8xf32>
    %reduce_sum3A_57 = arith.constant dense<0.000000e+00> : vector<8xf32>
    %reduce_sum3A_58 = vector.multi_reduction <add>, %mul3A_56, %reduce_sum3A_57 [0] : vector<4x8xf32> to vector<8xf32>
    %broadcast_in_dim3A_59 = vector.shape_cast %reduce_sum3A_58 : vector<8xf32> to vector<1x8xf32>
    %mul3A_60 = arith.mulf %squeeze3A_33, %convert_element_type3A_55 : vector<4x8xf32>
    %reduce_sum3A_61 = arith.constant dense<0.000000e+00> : vector<8xf32>
    %reduce_sum3A_62 = vector.multi_reduction <add>, %mul3A_60, %reduce_sum3A_61 [0] : vector<4x8xf32> to vector<8xf32>
    %broadcast_in_dim3A_63 = vector.shape_cast %reduce_sum3A_62 : vector<8xf32> to vector<1x8xf32>
    %add3A_64 = arith.addf %dot_general3A_50, %broadcast_in_dim3A_59 : vector<1x8xf32>
    %add3A_65 = arith.addf %dot_general3A_50, %broadcast_in_dim3A_35 : vector<1x8xf32>
    %add3A_66 = arith.addf %add3A_65, %broadcast_in_dim3A_63 : vector<1x8xf32>
    %get3A_67 = arith.constant 0 : index
    %get3A_68 = arith.constant 0 : index
    %get3A_69 = vector.load %arg1[%get3A_67, %get3A_68] : memref<1024x1024xbf16, #tpu.memory_space<vmem>>, vector<1024x1024xbf16>
    %convert_element_type3A_70 = arith.truncf %convert_element_type3A_22 : vector<1024x8xf32> to vector<1024x8xbf16>
    %dot_general3A_71 = arith.constant dense<0.000000e+00> : vector<1024x8xf32>
    %dot_general3A_72 = tpu.matmul %get3A_69, %convert_element_type3A_70, %dot_general3A_71 {dimension_numbers = #tpu.dot_dimension_numbers<[1], [0], [0], [1], [0, 0, 1, 1], [], []>, transpose_lhs_hint = false} : vector<1024x1024xbf16>, vector<1024x8xbf16>, vector<1024x8xf32> -> vector<1024x8xf32>
    %convert_element_type3A_73 = arith.truncf %convert_element_type3A_27 : vector<1024x8xf32> to vector<1024x8xbf16>
    %dot_general3A_74 = arith.constant dense<0.000000e+00> : vector<1024x8xf32>
    %dot_general3A_75 = tpu.matmul %get3A_69, %convert_element_type3A_73, %dot_general3A_74 {dimension_numbers = #tpu.dot_dimension_numbers<[1], [0], [0], [1], [0, 0, 1, 1], [], []>, transpose_lhs_hint = false} : vector<1024x1024xbf16>, vector<1024x8xbf16>, vector<1024x8xf32> -> vector<1024x8xf32>
    %add3A_76 = vector.broadcast %add3A_64 : vector<1x8xf32> to vector<1024x8xf32>
    %add3A_77 = arith.addf %add3A_76, %dot_general3A_72 : vector<1024x8xf32>
    %mul3A_78 = arith.mulf %convert_element_type3A_22, %add3A_77 : vector<1024x8xf32>
    %reduce_sum3A_79 = arith.constant dense<0.000000e+00> : vector<1024xf32>
    %reduce_sum3A_80 = vector.multi_reduction <add>, %mul3A_78, %reduce_sum3A_79 [1] : vector<1024x8xf32> to vector<1024xf32>
    %broadcast_in_dim3A_81 = vector.shape_cast %reduce_sum3A_80 : vector<1024xf32> to vector<1024x1xf32>
    %add3A_82 = vector.broadcast %add3A_66 : vector<1x8xf32> to vector<1024x8xf32>
    %add3A_83 = arith.addf %add3A_82, %dot_general3A_75 : vector<1024x8xf32>
    %mul3A_84 = arith.mulf %convert_element_type3A_27, %add3A_83 : vector<1024x8xf32>
    %reduce_sum3A_85 = arith.constant dense<0.000000e+00> : vector<1024xf32>
    %reduce_sum3A_86 = vector.multi_reduction <add>, %mul3A_84, %reduce_sum3A_85 [1] : vector<1024x8xf32> to vector<1024xf32>
    %broadcast_in_dim3A_87 = vector.shape_cast %reduce_sum3A_86 : vector<1024xf32> to vector<1024x1xf32>
    %convert_element_type3A_88 = arith.fptosi %broadcast_in_dim3A_81 : vector<1024x1xf32> to vector<1024x1xi32>
    %swap3A = arith.constant 0 : index
    %swap3A_89 = arith.constant 0 : index
    %swap3A_90 = vector.load %arg6[%swap3A, %swap3A_89] : memref<1024x1xi32, #tpu.memory_space<vmem>>, vector<1024x1xi32>
    tpu.vector_store %arg6[%swap3A, %swap3A_89], %convert_element_type3A_88 {strides = array<i32>} : memref<1024x1xi32, #tpu.memory_space<vmem>>, vector<1024x1xi32>,
    %convert_element_type3A_91 = arith.fptosi %broadcast_in_dim3A_87 : vector<1024x1xf32> to vector<1024x1xi32>
    %swap3A_92 = arith.constant 0 : index
    %swap3A_93 = arith.constant 0 : index
    %swap3A_94 = vector.load %arg7[%swap3A_92, %swap3A_93] : memref<1024x1xi32, #tpu.memory_space<vmem>>, vector<1024x1xi32>
    tpu.vector_store %arg7[%swap3A_92, %swap3A_93], %convert_element_type3A_91 {strides = array<i32>} : memref<1024x1xi32, #tpu.memory_space<vmem>>, vector<1024x1xi32>,
    %sub3A = arith.subf %broadcast_in_dim3A_16, %broadcast_in_dim3A : vector<1024x1xf32>
    %exp3A = math.exp %sub3A : vector<1024x1xf32>
    %add3A_95 = arith.constant 1.000000e+00 : f32
    %add3A_96 = vector.broadcast %add3A_95 : f32 to vector<1024x1xf32>
    %add3A_97 = arith.addf %add3A_96, %exp3A : vector<1024x1xf32>
    %div3A = arith.constant 1.000000e+00 : f32
    %div3A_98 = vector.broadcast %div3A : f32 to vector<1024x1xf32>
    %div3A_99 = arith.divf %div3A_98, %add3A_97 : vector<1024x1xf32>
    %swap3A_100 = arith.constant 0 : index
    %swap3A_101 = arith.constant 0 : index
    %swap3A_102 = vector.load %arg8[%swap3A_100, %swap3A_101] : memref<1024x1xf32, #tpu.memory_space<vmem>>, vector<1024x1xf32>
    tpu.vector_store %arg8[%swap3A_100, %swap3A_101], %div3A_99 {strides = array<i32>} : memref<1024x1xf32, #tpu.memory_space<vmem>>, vector<1024x1xf32>,
    %div3A_103 = arith.divf %exp3A, %add3A_97 : vector<1024x1xf32>
    %swap3A_104 = arith.constant 0 : index
    %swap3A_105 = arith.constant 0 : index
    %swap3A_106 = vector.load %arg9[%swap3A_104, %swap3A_105] : memref<1024x1xf32, #tpu.memory_space<vmem>>, vector<1024x1xf32>
    tpu.vector_store %arg9[%swap3A_104, %swap3A_105], %div3A_103 {strides = array<i32>} : memref<1024x1xf32, #tpu.memory_space<vmem>>, vector<1024x1xf32>,
    %add3A_107 = arith.addf %dot_general3A_50, %mul3A_44 : vector<1x8xf32>
    %transpose3A = tpu.transpose %add3A_107, [1, 0] : vector<1x8xf32> -> vector<8x1xf32>
    %iota3A_108 = tpu.iota {dimensions = array<i32: 1>} : vector<8x40xi32>
    %convert_element_type3A_109 = arith.sitofp %iota3A_108 : vector<8x40xi32> to vector<8x40xf32>
    %mul3A_110 = arith.constant 2.560000e+02 : f32
    %mul3A_111 = vector.broadcast %mul3A_110 : f32 to vector<8x40xf32>
    %mul3A_112 = arith.mulf %convert_element_type3A_109, %mul3A_111 : vector<8x40xf32>
    %le3A = vector.broadcast %transpose3A : vector<8x1xf32> to vector<8x40xf32>
    %le3A_113 = arith.cmpf ole, %le3A, %mul3A_112 : vector<8x40xf32>
    %convert_element_type3A_114 = arith.extui %le3A_113 : vector<8x40xi1> to vector<8x40xi32>
    %reduce_sum3A_115 = arith.constant dense<0> : vector<40xi32>
    %reduce_sum3A_116 = vector.multi_reduction <add>, %convert_element_type3A_114, %reduce_sum3A_115 [0] : vector<8x40xi32> to vector<40xi32>
    %broadcast_in_dim3A_117 = vector.shape_cast %reduce_sum3A_116 : vector<40xi32> to vector<1x40xi32>
    %min3A = arith.constant 7 : i32
    %min3A_118 = vector.broadcast %min3A : i32 to vector<1x40xi32>
    %min3A_119 = arith.minsi %broadcast_in_dim3A_117, %min3A_118 : vector<1x40xi32>
    %swap3A_120 = arith.constant 0 : index
    %swap3A_121 = arith.constant 0 : index
    %swap3A_122 = vector.load %arg10[%swap3A_120, %swap3A_121] : memref<1x40xi32, #tpu.memory_space<vmem>>, vector<1x40xi32>
    tpu.vector_store %arg10[%swap3A_120, %swap3A_121], %min3A_119 {strides = array<i32>} : memref<1x40xi32, #tpu.memory_space<vmem>>, vector<1x40xi32>,
    return
  }
  func.func @transform_0(%arg0: i32) -> (i32, i32) {
    %c0_i32 = arith.constant 0 : i32
    %c0_i32_0 = arith.constant 0 : i32
    %c0_i32_1 = arith.constant 0 : i32
    return %c0_i32, %c0_i32_0 : i32, i32
  }
  func.func @transform_1(%arg0: i32) -> (i32, i32, i32) {
    %c0_i32 = arith.constant 0 : i32
    %c0_i32_0 = arith.constant 0 : i32
    %c0_i32_1 = arith.constant 0 : i32
    %c0_i32_2 = arith.constant 0 : i32
    return %c0_i32, %c0_i32_0, %c0_i32_1 : i32, i32, i32
  }
  func.func @transform_2(%arg0: i32) -> (i32, i32) {
    %c0_i32 = arith.constant 0 : i32
    %c0_i32_0 = arith.constant 0 : i32
    return %arg0, %c0_i32 : i32, i32
  }
  func.func @transform_3(%arg0: i32) -> (i32, i32) {
    %c0_i32 = arith.constant 0 : i32
    %c0_i32_0 = arith.constant 0 : i32
    %c0_i32_1 = arith.constant 0 : i32
    return %c0_i32, %c0_i32_0 : i32, i32
  }
  func.func @transform_4(%arg0: i32) -> (i32, i32) {
    %c0_i32 = arith.constant 0 : i32
    %c0_i32_0 = arith.constant 0 : i32
    %c0_i32_1 = arith.constant 0 : i32
    return %c0_i32, %c0_i32_0 : i32, i32
  }
  func.func @transform_5(%arg0: i32) -> (i32, i32) {
    %c0_i32 = arith.constant 0 : i32
    %c0_i32_0 = arith.constant 0 : i32
    return %arg0, %c0_i32 : i32, i32
  }
  func.func @transform_6(%arg0: i32) -> (i32, i32) {
    %c0_i32 = arith.constant 0 : i32
    %c0_i32_0 = arith.constant 0 : i32
    return %arg0, %c0_i32 : i32, i32
  }
  func.func @transform_7(%arg0: i32) -> (i32, i32) {
    %c0_i32 = arith.constant 0 : i32
    %c0_i32_0 = arith.constant 0 : i32
    return %arg0, %c0_i32 : i32, i32
  }
  func.func @transform_8(%arg0: i32) -> (i32, i32) {
    %c0_i32 = arith.constant 0 : i32
    %c0_i32_0 = arith.constant 0 : i32
    return %arg0, %c0_i32 : i32, i32
  }
  func.func @transform_9(%arg0: i32) -> (i32, i32) {
    %c0_i32 = arith.constant 0 : i32
    %c0_i32_0 = arith.constant 0 : i32
    %c0_i32_1 = arith.constant 0 : i32
    return %c0_i32, %c0_i32_0 : i32, i32
  }
}

module attributes {stable_mosaic.version = 14 : i64} {
  func.func @_gmm_kernel(%arg0: i32, %arg1: memref<40xi32, #tpu.memory_space<smem>>, %arg2: memref<256x1024xbf16, #tpu.memory_space<vmem>>, %arg3: memref<8x1024x1024xbf16, #tpu.memory_space<vmem>>, %arg4: memref<8x1024xf32, #tpu.memory_space<vmem>>, %arg5: memref<256x1024xf32, #tpu.memory_space<vmem>>) attributes {dimension_semantics = [#tpu.dimension_semantics<arbitrary>], iteration_bounds = array<i64: 40>, scalar_prefetch = 1 : i64, scratch_operands = 0 : i64, tpu.core_type = #tpu.core_type<tc>, window_params = [{transform_indices = @transform_0, window_bounds = array<i64: 256, 1024>}, {pipeline_mode = #tpu.pipeline_mode<synchronous>, transform_indices = @transform_1, window_bounds = array<i64: 8, 1024, 1024>}, {pipeline_mode = #tpu.pipeline_mode<synchronous>, transform_indices = @transform_2, window_bounds = array<i64: 8, 1024>}, {transform_indices = @transform_3, window_bounds = array<i64: 256, 1024>}]} {
    %get3A = arith.index_cast %arg0 : i32 to index
    %get3A_0 = memref.load %arg1[%get3A] : memref<40xi32, #tpu.memory_space<smem>>
    %get3A_1 = arith.constant 0 : index
    %get3A_2 = arith.constant 0 : index
    %get3A_3 = vector.load %arg2[%get3A_1, %get3A_2] : memref<256x1024xbf16, #tpu.memory_space<vmem>>, vector<256x1024xbf16>
    %get3A_4 = arith.index_cast %get3A_0 : i32 to index
    %get3A_5 = arith.constant 0 : index
    %get3A_6 = arith.constant 0 : index
    %get3A_7 = vector.load %arg3[%get3A_4, %get3A_5, %get3A_6] : memref<8x1024x1024xbf16, #tpu.memory_space<vmem>>, vector<1x1024x1024xbf16>
    %get3A_8 = vector.shape_cast %get3A_7 : vector<1x1024x1024xbf16> to vector<1024x1024xbf16>
    %dot_general3A = arith.constant dense<0.000000e+00> : vector<256x1024xf32>
    %dot_general3A_9 = tpu.matmul %get3A_3, %get3A_8, %dot_general3A {dimension_numbers = #tpu.dot_dimension_numbers<[1], [1], [0], [0], [0, 0, 1, 0], [], []>, transpose_lhs_hint = false} : vector<256x1024xbf16>, vector<1024x1024xbf16>, vector<256x1024xf32> -> vector<256x1024xf32>
    %get3A_10 = arith.index_cast %get3A_0 : i32 to index
    %get3A_11 = arith.constant 0 : index
    %get3A_12 = vector.load %arg4[%get3A_10, %get3A_11] : memref<8x1024xf32, #tpu.memory_space<vmem>>, vector<1x1024xf32>
    %add3A = vector.broadcast %get3A_12 : vector<1x1024xf32> to vector<256x1024xf32>
    %add3A_13 = arith.addf %dot_general3A_9, %add3A : vector<256x1024xf32>
    %logistic3A = arith.negf %add3A_13 : vector<256x1024xf32>
    %logistic3A_14 = math.exp %logistic3A : vector<256x1024xf32>
    %logistic3A_15 = arith.constant 1.000000e+00 : f32
    %logistic3A_16 = vector.broadcast %logistic3A_15 : f32 to vector<256x1024xf32>
    %logistic3A_17 = arith.addf %logistic3A_16, %logistic3A_14 : vector<256x1024xf32>
    %logistic3A_18 = arith.divf %logistic3A_16, %logistic3A_17 : vector<256x1024xf32>
    %mul3A = arith.mulf %add3A_13, %logistic3A_18 : vector<256x1024xf32>
    %swap3A = arith.constant 0 : index
    %swap3A_19 = arith.constant 0 : index
    %swap3A_20 = vector.load %arg5[%swap3A, %swap3A_19] : memref<256x1024xf32, #tpu.memory_space<vmem>>, vector<256x1024xf32>
    tpu.vector_store %arg5[%swap3A, %swap3A_19], %mul3A {strides = array<i32>} : memref<256x1024xf32, #tpu.memory_space<vmem>>, vector<256x1024xf32>,
    return
  }
  func.func @transform_0(%arg0: i32, %arg1: memref<40xi32, #tpu.memory_space<smem>>) -> (i32, i32) {
    %c0_i32 = arith.constant 0 : i32
    %c0_i32_0 = arith.constant 0 : i32
    return %arg0, %c0_i32 : i32, i32
  }
  func.func @transform_1(%arg0: i32, %arg1: memref<40xi32, #tpu.memory_space<smem>>) -> (i32, i32, i32) {
    %c0_i32 = arith.constant 0 : i32
    %c0_i32_0 = arith.constant 0 : i32
    %c0_i32_1 = arith.constant 0 : i32
    %c0_i32_2 = arith.constant 0 : i32
    return %c0_i32, %c0_i32_0, %c0_i32_1 : i32, i32, i32
  }
  func.func @transform_2(%arg0: i32, %arg1: memref<40xi32, #tpu.memory_space<smem>>) -> (i32, i32) {
    %c0_i32 = arith.constant 0 : i32
    %c0_i32_0 = arith.constant 0 : i32
    %c0_i32_1 = arith.constant 0 : i32
    return %c0_i32, %c0_i32_0 : i32, i32
  }
  func.func @transform_3(%arg0: i32, %arg1: memref<40xi32, #tpu.memory_space<smem>>) -> (i32, i32) {
    %c0_i32 = arith.constant 0 : i32
    %c0_i32_0 = arith.constant 0 : i32
    return %arg0, %c0_i32 : i32, i32
  }
}

module attributes {stable_mosaic.version = 14 : i64} {
  func.func @_final_kernel(%arg0: i32, %arg1: memref<512x1024xf32, #tpu.memory_space<vmem>>, %arg2: memref<512x1xf32, #tpu.memory_space<vmem>>, %arg3: memref<512x1xf32, #tpu.memory_space<vmem>>, %arg4: memref<512x1024xf32, #tpu.memory_space<vmem>>, %arg5: memref<512x1024xf32, #tpu.memory_space<vmem>>, %arg6: memref<1024x1024xbf16, #tpu.memory_space<vmem>>, %arg7: memref<1x1024xf32, #tpu.memory_space<vmem>>, %arg8: memref<1x1024xf32, #tpu.memory_space<vmem>>, %arg9: memref<512x1024xf32, #tpu.memory_space<vmem>>) attributes {dimension_semantics = [#tpu.dimension_semantics<arbitrary>], iteration_bounds = array<i64: 8>, scalar_prefetch = 0 : i64, scratch_operands = 0 : i64, tpu.core_type = #tpu.core_type<tc>, window_params = [{transform_indices = @transform_0, window_bounds = array<i64: 512, 1024>}, {transform_indices = @transform_1, window_bounds = array<i64: 512, 1>}, {transform_indices = @transform_2, window_bounds = array<i64: 512, 1>}, {transform_indices = @transform_3, window_bounds = array<i64: 512, 1024>}, {transform_indices = @transform_4, window_bounds = array<i64: 512, 1024>}, {pipeline_mode = #tpu.pipeline_mode<synchronous>, transform_indices = @transform_5, window_bounds = array<i64: 1024, 1024>}, {pipeline_mode = #tpu.pipeline_mode<synchronous>, transform_indices = @transform_6, window_bounds = array<i64: 1, 1024>}, {pipeline_mode = #tpu.pipeline_mode<synchronous>, transform_indices = @transform_7, window_bounds = array<i64: 1, 1024>}, {transform_indices = @transform_8, window_bounds = array<i64: 512, 1024>}]} {
    %get3A = arith.constant 0 : index
    %get3A_0 = arith.constant 0 : index
    %get3A_1 = vector.load %arg1[%get3A, %get3A_0] : memref<512x1024xf32, #tpu.memory_space<vmem>>, vector<512x1024xf32>
    %get3A_2 = arith.constant 0 : index
    %get3A_3 = arith.constant 0 : index
    %get3A_4 = vector.load %arg2[%get3A_2, %get3A_3] : memref<512x1xf32, #tpu.memory_space<vmem>>, vector<512x1xf32>
    %get3A_5 = arith.constant 0 : index
    %get3A_6 = arith.constant 0 : index
    %get3A_7 = vector.load %arg4[%get3A_5, %get3A_6] : memref<512x1024xf32, #tpu.memory_space<vmem>>, vector<512x1024xf32>
    %mul3A = vector.broadcast %get3A_4 : vector<512x1xf32> to vector<512x1024xf32>
    %mul3A_8 = arith.mulf %mul3A, %get3A_7 : vector<512x1024xf32>
    %get3A_9 = arith.constant 0 : index
    %get3A_10 = arith.constant 0 : index
    %get3A_11 = vector.load %arg3[%get3A_9, %get3A_10] : memref<512x1xf32, #tpu.memory_space<vmem>>, vector<512x1xf32>
    %get3A_12 = arith.constant 0 : index
    %get3A_13 = arith.constant 0 : index
    %get3A_14 = vector.load %arg5[%get3A_12, %get3A_13] : memref<512x1024xf32, #tpu.memory_space<vmem>>, vector<512x1024xf32>
    %mul3A_15 = vector.broadcast %get3A_11 : vector<512x1xf32> to vector<512x1024xf32>
    %mul3A_16 = arith.mulf %mul3A_15, %get3A_14 : vector<512x1024xf32>
    %add3A = arith.addf %mul3A_8, %mul3A_16 : vector<512x1024xf32>
    %convert_element_type3A = arith.truncf %add3A : vector<512x1024xf32> to vector<512x1024xbf16>
    %get3A_17 = arith.constant 0 : index
    %get3A_18 = arith.constant 0 : index
    %get3A_19 = vector.load %arg6[%get3A_17, %get3A_18] : memref<1024x1024xbf16, #tpu.memory_space<vmem>>, vector<1024x1024xbf16>
    %dot_general3A = arith.constant dense<0.000000e+00> : vector<512x1024xf32>
    %dot_general3A_20 = tpu.matmul %convert_element_type3A, %get3A_19, %dot_general3A {dimension_numbers = #tpu.dot_dimension_numbers<[1], [1], [0], [0], [0, 0, 1, 0], [], []>, transpose_lhs_hint = false} : vector<512x1024xbf16>, vector<1024x1024xbf16>, vector<512x1024xf32> -> vector<512x1024xf32>
    %get3A_21 = arith.constant 0 : index
    %get3A_22 = arith.constant 0 : index
    %get3A_23 = vector.load %arg7[%get3A_21, %get3A_22] : memref<1x1024xf32, #tpu.memory_space<vmem>>, vector<1x1024xf32>
    %add3A_24 = vector.broadcast %get3A_23 : vector<1x1024xf32> to vector<512x1024xf32>
    %add3A_25 = arith.addf %dot_general3A_20, %add3A_24 : vector<512x1024xf32>
    %add3A_26 = arith.addf %get3A_1, %add3A_25 : vector<512x1024xf32>
    %mul3A_27 = arith.mulf %add3A_26, %add3A_26 : vector<512x1024xf32>
    %reduce_sum3A = arith.constant dense<0.000000e+00> : vector<512xf32>
    %reduce_sum3A_28 = vector.multi_reduction <add>, %mul3A_27, %reduce_sum3A [1] : vector<512x1024xf32> to vector<512xf32>
    %broadcast_in_dim3A = vector.shape_cast %reduce_sum3A_28 : vector<512xf32> to vector<512x1xf32>
    %div3A = arith.constant 1.024000e+03 : f32
    %div3A_29 = vector.broadcast %div3A : f32 to vector<512x1xf32>
    %div3A_30 = arith.divf %broadcast_in_dim3A, %div3A_29 : vector<512x1xf32>
    %add3A_31 = arith.constant 9.99999997E-7 : f32
    %add3A_32 = vector.broadcast %add3A_31 : f32 to vector<512x1xf32>
    %add3A_33 = arith.addf %div3A_30, %add3A_32 : vector<512x1xf32>
    %sqrt3A = math.sqrt %add3A_33 : vector<512x1xf32>
    %get3A_34 = arith.constant 0 : index
    %get3A_35 = arith.constant 0 : index
    %get3A_36 = vector.load %arg8[%get3A_34, %get3A_35] : memref<1x1024xf32, #tpu.memory_space<vmem>>, vector<1x1024xf32>
    %div3A_37 = vector.broadcast %sqrt3A : vector<512x1xf32> to vector<512x1024xf32>
    %div3A_38 = arith.divf %add3A_26, %div3A_37 : vector<512x1024xf32>
    %mul3A_39 = vector.broadcast %get3A_36 : vector<1x1024xf32> to vector<512x1024xf32>
    %mul3A_40 = arith.mulf %mul3A_39, %div3A_38 : vector<512x1024xf32>
    %swap3A = arith.constant 0 : index
    %swap3A_41 = arith.constant 0 : index
    %swap3A_42 = vector.load %arg9[%swap3A, %swap3A_41] : memref<512x1024xf32, #tpu.memory_space<vmem>>, vector<512x1024xf32>
    tpu.vector_store %arg9[%swap3A, %swap3A_41], %mul3A_40 {strides = array<i32>} : memref<512x1024xf32, #tpu.memory_space<vmem>>, vector<512x1024xf32>,
    return
  }
  func.func @transform_0(%arg0: i32) -> (i32, i32) {
    %c0_i32 = arith.constant 0 : i32
    %c0_i32_0 = arith.constant 0 : i32
    return %arg0, %c0_i32 : i32, i32
  }
  func.func @transform_1(%arg0: i32) -> (i32, i32) {
    %c0_i32 = arith.constant 0 : i32
    %c0_i32_0 = arith.constant 0 : i32
    return %arg0, %c0_i32 : i32, i32
  }
  func.func @transform_2(%arg0: i32) -> (i32, i32) {
    %c0_i32 = arith.constant 0 : i32
    %c0_i32_0 = arith.constant 0 : i32
    return %arg0, %c0_i32 : i32, i32
  }
  func.func @transform_3(%arg0: i32) -> (i32, i32) {
    %c0_i32 = arith.constant 0 : i32
    %c0_i32_0 = arith.constant 0 : i32
    return %arg0, %c0_i32 : i32, i32
  }
  func.func @transform_4(%arg0: i32) -> (i32, i32) {
    %c0_i32 = arith.constant 0 : i32
    %c0_i32_0 = arith.constant 0 : i32
    return %arg0, %c0_i32 : i32, i32
  }
  func.func @transform_5(%arg0: i32) -> (i32, i32) {
    %c0_i32 = arith.constant 0 : i32
    %c0_i32_0 = arith.constant 0 : i32
    %c0_i32_1 = arith.constant 0 : i32
    return %c0_i32, %c0_i32_0 : i32, i32
  }
  func.func @transform_6(%arg0: i32) -> (i32, i32) {
    %c0_i32 = arith.constant 0 : i32
    %c0_i32_0 = arith.constant 0 : i32
    %c0_i32_1 = arith.constant 0 : i32
    return %c0_i32, %c0_i32_0 : i32, i32
  }
  func.func @transform_7(%arg0: i32) -> (i32, i32) {
    %c0_i32 = arith.constant 0 : i32
    %c0_i32_0 = arith.constant 0 : i32
    %c0_i32_1 = arith.constant 0 : i32
    return %c0_i32, %c0_i32_0 : i32, i32
  }
  func.func @transform_8(%arg0: i32) -> (i32, i32) {
    %c0_i32 = arith.constant 0 : i32
    %c0_i32_0 = arith.constant 0 : i32
    return %arg0, %c0_i32 : i32, i32
  }
}

</mosaic_0001>

<sc_bundles>
// kernel: kernel.11.cloned.1.call-start
scs
__scs_entry_jumppad:
0x0: {  	(pc) =	sbr.rel $0x88, $3  }
0x1: {  	(tag) =	ssettag $0x0;
	lr =	simm.s32 $0x1  }
0x2: {  	[smem:$0x3F99] =	sst lr;
	_ =	strace $0xD0000000  }
0x3: {  	_ = 	snop  }
0x4: {  	_ = 	snop  }
0x5: {  	_ = 	snop  }
0x6: {  	_ = 	snop  }
0x7: {  	_ = 	snop  }
__scs_overlays_trampoline_lowered:
0x8: {  	[smem:$0x3FA8] =	sst s0  }
0x9: {  	[smem:$0x3FA9] =	sst s1  }
0xa: {  	[smem:$0x3FAA] =	sst s2  }
0xb: {  	[smem:$0x3FAB] =	sst s3  }
0xc: {  	[smem:$0x3FAC] =	sst s4  }
0xd: {  	[smem:$0x3FAD] =	sst s5  }
0xe: {  	[smem:$0x3FAE] =	sst s6  }
0xf: {  	[smem:$0x3FAF] =	sst s7  }
0x10: {  	[smem:$0x3FB0] =	sst s8  }
0x11: {  	[smem:$0x3FB1] =	sst s9;
	s0 =	simm.s32 @!p0 $0x0  }
0x12: {  	s1 =	sld [smem:$0x3F97];
	s0 =	simm.s32 @p0 $0x1  }
0x13: {  	[smem:$0x3FB2] =	sst s0;
	s0 =	simm.s32 @!p1 $0x0  }
0x14: {  	s2 =	sld [smem:$0x3F96];
	s0 =	simm.s32 @p1 $0x1  }
0x15: {  	[smem:$0x3FB3] =	sst s0;
	s0 =	simm.s32 @!p2 $0x0  }
0x16: {  	s3 =	sld [smem:$0x3FDB];
	s0 =	simm.s32 @p2 $0x1  }
0x17: {  	s4 =	simm.s32 $0x1BF5;
	[smem:$0x3FB5] =	sst s0  }
0x18: {  	s0 =	sld [smem:$0x3F98];
	_ =	swait.ge [sflag:s4], $0x0  }
0x19: {  	s7 =	sld [smem:$0x3F99]  }
0x1a: {  	s8 =	sadd.s32 $0xFFFFE003, lr  }
0x1b: {  	s9 =	sadd.s32 $0xFFFFFEF7, lr;
	s5 =	simm.s32 $0xFFFFFFFF;
	p2 =	slt.u32 s8, $0xFFFFF086  }
0x1c: {  	p1 =	slt.u32 s9, $0xF7A;
	s5 =	simm.s32 @!p2 $0x0  }
0x1d: {  	s5 =	simm.s32 @p1 $0x1;
	p0 =	seq.s32 s7, s2  }
0x1e: {  	s7 =	smul.u32 @!p0 $0xF7A, s2;
	p2 =	seq.s32 @!p0 s5, $0x0  }
0x1f: {  	s9 =	smul.u32 $0xF7A, s1;
	s8 =	simm.s32 @!p0 $0x1BF5;
	p2 =	por !p2, p0  }
0x20: {  	[sflag:s8] =	ssyncset.s32 @!p0 $0xFFFFF086;
	s6 =	sadd.s32 @!p0 s3, s7;
	s7 =	simm.s32 @!p0 $0x108  }
0x21: {  	s3 =	sadd.s32 s3, s9;
	s6 =	sadd.s32 @!p0 $0x88, s6;
	s7 =	simm.s32 @p2 $0x1082  }
0x22: {  	[simem:s7], [sflag:s8] =	dma.local @!p0 [hbm:s6], $0xF7A  }
0x23: {  	s9 =	sor.u32 $0xD0000000, s2;
	s6 =	simm.s32 $0x108;
	_ =	swait.ge @!p0 [sflag:s8], $0x0  }
0x24: {  	s3 =	sadd.s32 $0x88, s3;
	s6 =	simm.s32 @!p1 $0x1082;
	[sflag:s4] =	ssyncset.s32 $0xFFFFF086  }
0x25: {  	[simem:s6], [sflag:s4] =	dma.local [hbm:s3], $0xF7A  }
0x26: {  	[smem:$0x3F99] =	sst s1;
	(tag) =	ssettag s2;
	_ =	strace s9  }
0x27: {  	s1 =	sld [smem:$0x3FA9]  }
0x28: {  	s2 =	sld [smem:$0x3FAA]  }
0x29: {  	s4 =	sld [smem:$0x3FAC]  }
0x2a: {  	p0 =	seq.s32 s5, $0x0;
	s5 =	sld [smem:$0x3FAD]  }
0x2b: {  	s6 =	sld [smem:$0x3FAE]  }
0x2c: {  	s7 =	sld [smem:$0x3FAF]  }
0x2d: {  	s3 =	simm.s32 $0x108;
	s8 =	sld [smem:$0x3FB0]  }
0x2e: {  	s3 =	simm.s32 @!p0 $0x1082;
	s9 =	sld [smem:$0x3FB1]  }
0x2f: {  	lr =	sadd.s32 s0, s3;
	s0 =	sld [smem:$0x3FA8]  }
0x30: {  	s3 =	sld [smem:$0x3FAB]  }
0x31: {  	[smem:$0x3FB4] =	sst s10  }
0x32: {  	s10 =	sld [smem:$0x3FB2];
	_ =	sdelay $0x3  }
0x33: {  	p0 =	seq.s32 s10, $0x1;
	s10 =	sld [smem:$0x3FB4];
	_ =	sdelay $0x3  }
0x34: {  	[smem:$0x3FB4] =	sst s10  }
0x35: {  	s10 =	sld [smem:$0x3FB3];
	_ =	sdelay $0x3  }
0x36: {  	p1 =	seq.s32 s10, $0x1;
	s10 =	sld [smem:$0x3FB4];
	_ =	sdelay $0x3  }
0x37: {  	[smem:$0x3FB4] =	sst s10  }
0x38: {  	s10 =	sld [smem:$0x3FB5]  }
0x39: {  	_ = 	snop;
	(pc) =	sbr.ind lr, $3  }
0x3a: {  	_ = 	snop  }
0x3b: {  	_ = 	snop  }
0x3c: {  	p2 =	seq.s32 s10, $0x1;
	s10 =	sld [smem:$0x3FB4]  }
0x3d: {  	_ =	shalt  }
0x3e: {  	_ =	shalt  }
0x3f: {  	_ =	shalt  }
0x40: {  	_ =	shalt  }
0x41: {  	_ =	shalt  }
0x42: {  	_ =	shalt  }
0x43: {  	_ =	shalt  }
0x44: {  	_ =	shalt  }
0x45: {  	_ =	shalt  }
0x46: {  	_ =	shalt  }
0x47: {  	_ =	shalt  }
0x48: {  	_ =	shalt  }
0x49: {  	_ =	shalt  }
0x4a: {  	_ =	shalt  }
0x4b: {  	_ =	shalt  }
0x4c: {  	_ =	shalt  }
0x4d: {  	_ =	shalt  }
0x4e: {  	_ =	shalt  }
0x4f: {  	_ =	shalt  }
0x50: {  	_ =	shalt  }
0x51: {  	_ =	shalt  }
0x52: {  	_ =	shalt  }
0x53: {  	_ =	shalt  }
0x54: {  	_ =	shalt  }
0x55: {  	_ =	shalt  }
0x56: {  	_ =	shalt  }
0x57: {  	_ =	shalt  }
0x58: {  	_ =	shalt  }
0x59: {  	_ =	shalt  }
0x5a: {  	_ =	shalt  }
0x5b: {  	_ =	shalt  }
0x5c: {  	_ =	shalt  }
0x5d: {  	_ =	shalt  }
0x5e: {  	_ =	shalt  }
0x5f: {  	_ =	shalt  }
0x60: {  	_ =	shalt  }
0x61: {  	_ =	shalt  }
0x62: {  	_ =	shalt  }
0x63: {  	_ =	shalt  }
0x64: {  	_ =	shalt  }
0x65: {  	_ =	shalt  }
0x66: {  	_ =	shalt  }
0x67: {  	_ =	shalt  }
0x68: {  	_ =	shalt  }
0x69: {  	_ =	shalt  }
0x6a: {  	_ =	shalt  }
0x6b: {  	_ =	shalt  }
0x6c: {  	_ =	shalt  }
0x6d: {  	_ =	shalt  }
0x6e: {  	_ =	shalt  }
0x6f: {  	_ =	shalt  }
0x70: {  	_ =	shalt  }
0x71: {  	_ =	shalt  }
0x72: {  	_ =	shalt  }
0x73: {  	_ =	shalt  }
0x74: {  	_ =	shalt  }
0x75: {  	_ =	shalt  }
0x76: {  	_ =	shalt  }
0x77: {  	_ =	shalt  }
0x78: {  	_ =	shalt  }
0x79: {  	_ =	shalt  }
0x7a: {  	_ =	shalt  }
0x7b: {  	_ =	shalt  }
0x7c: {  	_ =	shalt  }
0x7d: {  	_ =	shalt  }
0x7e: {  	_ =	shalt  }
0x7f: {  	_ =	shalt  }
0x80: {  	_ =	shalt  }
0x81: {  	_ =	shalt  }
0x82: {  	_ =	shalt  }
0x83: {  	_ =	shalt  }
0x84: {  	_ =	shalt  }
0x85: {  	_ =	shalt  }
0x86: {  	_ =	shalt  }
0x87: {  	_ =	shalt  }
.Lfunc_end0:
.L_simem_size_0:
called_computation.2_lowered:
.L_overlay_start_0:
0x88: {  	s2 =	sld [smem:$0x3FD9]  }
0x89: {  	s3 =	sld [smem:$0x3FFE];
	_ =	sdelay $0x1  }
0x8a: {  	s1 =	srdreg.scid  }
0x8b: {  	s0 =	sand.u32 $0x1, s1  }
0x8c: {  	s16 =	sshll.u32 s0, $0xA;
	s2 =	sadd.s32 s3, s2  }
0x8d: {  	s2 =	sadd.s32 s2, s16  }
0x8e: {  	[smem:$0x3FC0] =	sst s2  }
0x8f: {  	_ = 	snop  }
0x90: {  	(tm) =	ssettm $0x1  }
0x91: {  	s17 =	sld [smem:$0x3FFB];
	_ =	sdelay $0x3  }
0x92: {  	_ =	strace s17  }
0x93: {  	s2 =	sld [smem:$0x3FFC];
	_ =	sdelay $0x3  }
0x94: {  	_ =	strace s2  }
0x95: {  	s2 =	sld [smem:$0x3FFD];
	_ =	sdelay $0x3  }
0x96: {  	_ =	strace s2  }
0x97: {  	_ =	strace $0x8FFFFFFF  }
0x98: {  	s18 =	sld [smem:$0x3FDB];
	_ =	sdelay $0x1  }
0x99: {  	s19 =	simm.s32 $_scs_section_size  }
0x9a: {  	s4 =	simm.s32 $_size__tile_overlayer_lowered;
	s5 =	simm.s32 $_tile_overlayer_lowered  }
0x9b: {  	s22 =	simm.s32 $0x1BFF;
	s21 =	sshll.u32 s5, $0x1;
	s2 =	sadd.s32 s19, s18  }
0x9c: {  	s6 =	simm.s32 $0x0;
	s20 =	sshll.u32 s4, $0x1;
	s4 =	sadd.s32 s21, s2  }
0x9d: {  	[timem:s6], [sflag:s22] =	dma.local [hbm:s4], s20  }
0x9e: {  	_ =	swait.ge [sflag:s22], s20  }
0x9f: {  	s3 =	ssub.s32 $0x0, s20;
	[sflag:s22] =	ssyncset.done $0x0  }
0xa0: {  	[sflag:s22] =	ssyncadd.s32 s3;
	_ =	sdelay $0x1  }
0xa1: {  	s23 =	simm.s32 $0x1B8B  }
0xa2: {  	_ =	swait.ge [sflag:s23], $0x1  }
0xa3: {  	[sflag:s23] =	ssyncset.done $0x0  }
0xa4: {  	s25 =	simm.s32 $0x1B8E;
	s24 =	sld [smem:$0x3FFE];
	[sflag:s23] =	ssyncadd.s32 $0xFFFFFFFF  }
0xa5: {  	s26 =	simm.s32 $execute0_lowered;
	[smem:$0x3FD2] =	sst s25  }
0xa6: {  	s4 =	sshll.u32 s26, $0x1;
	_ =	strace $0x8000004C;
	[dreg:$0x1] =	wrdreg $0xFFFFFFFF  }
0xa7: {  	s28 =	simm.s32 $_size_execute0_lowered;
	s2 =	sadd.s32 s2, s4;
	[dreg:$0x0] =	wrdreg $0x0  }
0xa8: {  	s4 =	sshll.u32 s28, $0x1;
	[dreg:$0x2] =	wrdreg s2  }
0xa9: {  	[dreg:$0x3] =	wrdreg s4  }
0xaa: {  	[dreg:$0x4] =	wrdreg $0xC0  }
0xab: {  	_ =	task [dreg:s6], $0x5FFFF  }
0xac: {  	[dreg:$0x1] =	wrdreg $0xFFFFFFFF  }
0xad: {  	[dreg:$0x0] =	wrdreg $0x60  }
0xae: {  	[dreg:$0x2] =	wrdreg s24  }
0xaf: {  	[dreg:$0x3] =	wrdreg $0x9  }
0xb0: {  	_ =	task.clear_ibuf [dreg:s6], $0x4FFFF;
	_ =	strace $0x9000004C  }
0xb1: {  	s29 =	simm.s32 $0x9;
	_ =	strace $0x8000004E  }
0xb2: {  	_ =	swait.ge [sflag:s29], $0x1  }
0xb3: {  	[sflag:s29] =	ssyncadd.s32 $0xFFFFFFFF  }
0xb4: {  	_ =	strace $0x9000004E  }
0xb5: {  	_ =	sfence  }
0xb6: {  	s30 =	sld [smem:$0x0];
	_ =	sdelay $0x2  }
0xb7: {  	s31 =	sshll.u32 s1, $0xD;
	s1 =	sshrl.u32 s1, $0x2  }
0xb8: {  	s3 =	sand.u32 $0x4000, s31;
	s1 =	sadd.s32 s1, s30  }
0xb9: {  	s0 =	sor.u32 s3, s0;
	s1 =	sshll.u32 s1, $0x11  }
0xba: {  	s0 =	sor.u32 s1, s0  }
0xbb: {  	s0 =	sadd.s32 $0x8F2B, s0  }
0xbc: {  	[sflag:s0] =	ssyncadd.remote.s32 $0x1  }
0xbd: {  	_ =	sfence.sel $0xFFFF  }
0xbe: {  	[dreg:$0x0] =	wrdreg $0xFFFFFFFF;
	(pc) =	sbr.abs _section_cstart, $3  }
0xbf: {  	[dreg:$0x1] =	wrdreg $0xFFFFFFFF  }
0xc0: {  	_ =	task.clear_ibuf [dreg:s6], $0x2FFFF;
	_ =	strace $0x9FFFFFFF  }
0xc1: {  	(tm) =	ssettm $0x7FFFFFFF  }
tec
execute0_lowered:
.L_overlay_start_1:
0x0: {  	(tag) =	ssettag $0x1  }
0x1: {  	s0 =	rddreg [dreg:$0x0]  }
0x2: {  	s1 =	simm.s32 $0x0;
	s2 =	srdreg.scid;
	s5 =	stileid.u32  }
0x3: {  	s23 =	simm.s32 $0x80;
	s18 =	simm.s32 $0x1;
	[smem:$0x7FF] =	sst s1  }
0x4: {  	s3 =	sadd.s32 $0x22A00, s0;
	s2 =	sand.u32 $0x1, s2;
	s4 =	sadd.s32 $0x22600, s0  }
0x5: {  	s5 =	sshll.u32 s5, $0x8;
	s7 =	sadd.s32 $0x22800, s0;
	s6 =	sshll.u32 s2, $0x7  }
0x6: {  	s8 =	sadd.s32 $0x162A00, s0;
	s9 =	sadd.s32 $0x1E2A00, s0;
	s5 =	sor.u32 s6, s5  }
0x7: {  	_ =	strace $0x8000004D;
	s2 =	ssub.s32 $0x2, s2;
	s6 =	sshrl.u32 s5, $0x3  }
0x8: {  	s26 =	sshrl.u32 s2, $0x1;
	s11 =	sshll.u32 s5, $0x7;
	s10 =	sadd.s32 s4, s6  }
0x9: {  	s5 =	sor.u32 $0x40, s5;
	s24 =	sadd.s32 s8, s11;
	[dreg:$0x2] =	wrdreg s10  }
0xa: {  	s2 =	ssub.s32 s2, s26;
	s29 =	sadd.s32 s7, s6;
	[dreg:$0x3] =	wrdreg s24  }
0xb: {  	s12 =	sshrl.u32 s5, $0x3;
	s30 =	sadd.s32 s9, s11;
	[dreg:$0x6] =	wrdreg s29  }
0xc: {  	s25 =	sshll.u32 s5, $0x7;
	s4 =	sadd.s32 s4, s12;
	[dreg:$0x7] =	wrdreg s30  }
0xd: {  	s5 =	sadd.s32 $0x22C00, s0;
	s28 =	sadd.s32 s8, s25;
	[dreg:$0x4] =	wrdreg s4  }
0xe: {  	v2 =	vlaneseq.u32;
	s6 =	sadd.s32 $0x22D00, s0;
	s7 =	sadd.s32 s7, s12;
	[dreg:$0x5] =	wrdreg s28  }
0xf: {  	vm0 =	vmmov $0xffff;
	v1 =	vshrl.u32 v2, $0x3;
	s31 =	sadd.s32 s9, s25;
	s8 =	simm.s32 $0x2;
	[dreg:$0x8] =	wrdreg s7  }
0x10: {  	v0 =	vand.u32 $0x7, v2;
	v2 =	vor.u32 $0x8, v2;
	v1 =	vmul.u32 $0x8, v1;
	s4 =	sadd.s32 $0x22B00, s0;
	[dreg:$0x9] =	wrdreg s31;
	s7 =	smax.u32 s2, $0x1  }
.LBB2_1:
0x11: {  	s19 =	rddreg [dreg:$0x2]  }
0x12: {  	[tilespmem:s1], [sflag:$0x2] =	stream.linear.gather [hbm4b:s19+s1], $0x40, $0x38;
	[tilespmem:$0x10080] =	vst v63  }
0x13: {  	_ =	swait.ge [sflag:s8], $0x40  }
0x14: {  	[sflag:s8] =	ssyncset.done $0x0  }
0x15: {  	[sflag:s8] =	ssyncadd.s32 $0xFFFFFFC0  }
0x16: {  	v3 =	vld [tilespmem:$0x0];
	_ =	sdelay $0x4  }
0x17: {  	v4 =	vshll.u32 v3, $0x3  }
0x18: {  	v3 =	vand.u32 $0x7, v3;
	v4 =	vand.u32 $0xFFFFFFC0, v4  }
0x19: {  	v3 =	vor.u32 v3, v4  }
0x1a: {  	v4 =	vperm.xlane v3, v0;
	_ =	sdelay $0x1  }
0x1b: {  	v4 =	vadd.s32 v1, v4;
	_ =	sdelay $0x4  }
0x1c: {  	[tilespmem:s23], [sflag:$0x1] =	stream.indirect_vreg.gather [hbm4b:s3+s1], $0x80, v4, vm0, $0xb8;
	[tilespmem:$0x10080] =	vst v63  }
0x1d: {  	s0 =	simm.s32 $0x880;
	v3 =	vperm.xlane v3, v2  }
0x1e: {  	[tilespmem:s0], [sflag:$0x1] =	stream.indirect_vreg.gather [hbm4b:s4+s1], $0x80, v4, vm0, $0xb8;
	[tilespmem:$0x10080] =	vst v63  }
0x1f: {  	s12 =	simm.s32 $0x1080;
	v3 =	vadd.s32 v1, v3  }
0x20: {  	[tilespmem:s12], [sflag:$0x1] =	stream.indirect_vreg.gather [hbm4b:s5+s1], $0x80, v4, vm0, $0xb8;
	[tilespmem:$0x10080] =	vst v63  }
0x21: {  	s13 =	simm.s32 $0x1880  }
0x22: {  	[tilespmem:s13], [sflag:$0x1] =	stream.indirect_vreg.gather [hbm4b:s6+s1], $0x80, v4, vm0, $0xb8;
	[tilespmem:$0x10080] =	vst v63  }
0x23: {  	s15 =	simm.s32 $0x2080  }
0x24: {  	[tilespmem:s15], [sflag:$0x1] =	stream.indirect_vreg.gather [hbm4b:s3+s1], $0x80, v3, vm0, $0xb8;
	[tilespmem:$0x10080] =	vst v63  }
0x25: {  	s16 =	simm.s32 $0x2880  }
0x26: {  	[tilespmem:s16], [sflag:$0x1] =	stream.indirect_vreg.gather [hbm4b:s4+s1], $0x80, v3, vm0, $0xb8;
	[tilespmem:$0x10080] =	vst v63  }
0x27: {  	s17 =	simm.s32 $0x3080  }
0x28: {  	[tilespmem:s17], [sflag:$0x1] =	stream.indirect_vreg.gather [hbm4b:s5+s1], $0x80, v3, vm0, $0xb8;
	[tilespmem:$0x10080] =	vst v63  }
0x29: {  	s19 =	simm.s32 $0x3880  }
0x2a: {  	[tilespmem:s19], [sflag:$0x1] =	stream.indirect_vreg.gather [hbm4b:s6+s1], $0x80, v3, vm0, $0xb8;
	[tilespmem:$0x10080] =	vst v63  }
0x2b: {  	v3 =	vld [tilespmem:$0x10];
	_ =	sdelay $0x4  }
0x2c: {  	v49 =	vshll.u32 v3, $0x3  }
0x2d: {  	v3 =	vand.u32 $0x7, v3;
	v4 =	vand.u32 $0xFFFFFFC0, v49  }
0x2e: {  	v3 =	vor.u32 v3, v4  }
0x2f: {  	v4 =	vperm.xlane v3, v0;
	_ =	sdelay $0x1  }
0x30: {  	v4 =	vadd.s32 v1, v4;
	_ =	sdelay $0x3  }
0x31: {  	s20 =	simm.s32 $0x4080  }
0x32: {  	[tilespmem:s20], [sflag:$0x1] =	stream.indirect_vreg.gather [hbm4b:s3+s1], $0x80, v4, vm0, $0xb8;
	[tilespmem:$0x10080] =	vst v63  }
0x33: {  	s21 =	simm.s32 $0x4880;
	v3 =	vperm.xlane v3, v2  }
0x34: {  	[tilespmem:s21], [sflag:$0x1] =	stream.indirect_vreg.gather [hbm4b:s4+s1], $0x80, v4, vm0, $0xb8;
	[tilespmem:$0x10080] =	vst v63  }
0x35: {  	s22 =	simm.s32 $0x5080;
	v3 =	vadd.s32 v1, v3  }
0x36: {  	[tilespmem:s22], [sflag:$0x1] =	stream.indirect_vreg.gather [hbm4b:s5+s1], $0x80, v4, vm0, $0xb8;
	[tilespmem:$0x10080] =	vst v63  }
0x37: {  	s24 =	simm.s32 $0x5880  }
0x38: {  	[tilespmem:s24], [sflag:$0x1] =	stream.indirect_vreg.gather [hbm4b:s6+s1], $0x80, v4, vm0, $0xb8;
	[tilespmem:$0x10080] =	vst v63  }
0x39: {  	s25 =	simm.s32 $0x6080  }
0x3a: {  	[tilespmem:s25], [sflag:$0x1] =	stream.indirect_vreg.gather [hbm4b:s3+s1], $0x80, v3, vm0, $0xb8;
	[tilespmem:$0x10080] =	vst v63  }
0x3b: {  	s26 =	simm.s32 $0x6880  }
0x3c: {  	[tilespmem:s26], [sflag:$0x1] =	stream.indirect_vreg.gather [hbm4b:s4+s1], $0x80, v3, vm0, $0xb8;
	[tilespmem:$0x10080] =	vst v63  }
0x3d: {  	s28 =	simm.s32 $0x7080  }
0x3e: {  	[tilespmem:s28], [sflag:$0x1] =	stream.indirect_vreg.gather [hbm4b:s5+s1], $0x80, v3, vm0, $0xb8;
	[tilespmem:$0x10080] =	vst v63  }
0x3f: {  	s29 =	simm.s32 $0x7880  }
0x40: {  	[tilespmem:s29], [sflag:$0x1] =	stream.indirect_vreg.gather [hbm4b:s6+s1], $0x80, v3, vm0, $0xb8;
	[tilespmem:$0x10080] =	vst v63  }
0x41: {  	v3 =	vld [tilespmem:$0x20];
	_ =	sdelay $0x4  }
0x42: {  	v50 =	vshll.u32 v3, $0x3  }
0x43: {  	v3 =	vand.u32 $0x7, v3;
	v4 =	vand.u32 $0xFFFFFFC0, v50  }
0x44: {  	v3 =	vor.u32 v3, v4  }
0x45: {  	v4 =	vperm.xlane v3, v0;
	_ =	sdelay $0x1  }
0x46: {  	v4 =	vadd.s32 v1, v4;
	_ =	sdelay $0x3  }
0x47: {  	s30 =	simm.s32 $0x8080  }
0x48: {  	[tilespmem:s30], [sflag:$0x1] =	stream.indirect_vreg.gather [hbm4b:s3+s1], $0x80, v4, vm0, $0xb8;
	[tilespmem:$0x10080] =	vst v63  }
0x49: {  	s16 =	simm.s32 $0x8880;
	v3 =	vperm.xlane v3, v2  }
0x4a: {  	[tilespmem:s16], [sflag:$0x1] =	stream.indirect_vreg.gather [hbm4b:s4+s1], $0x80, v4, vm0, $0xb8;
	[tilespmem:$0x10080] =	vst v63  }
0x4b: {  	s17 =	simm.s32 $0x9080;
	v3 =	vadd.s32 v1, v3  }
0x4c: {  	[tilespmem:s17], [sflag:$0x1] =	stream.indirect_vreg.gather [hbm4b:s5+s1], $0x80, v4, vm0, $0xb8;
	[tilespmem:$0x10080] =	vst v63  }
0x4d: {  	s19 =	simm.s32 $0x9880  }
0x4e: {  	[tilespmem:s19], [sflag:$0x1] =	stream.indirect_vreg.gather [hbm4b:s6+s1], $0x80, v4, vm0, $0xb8;
	[tilespmem:$0x10080] =	vst v63  }
0x4f: {  	s20 =	simm.s32 $0xA080  }
0x50: {  	[tilespmem:s20], [sflag:$0x1] =	stream.indirect_vreg.gather [hbm4b:s3+s1], $0x80, v3, vm0, $0xb8;
	[tilespmem:$0x10080] =	vst v63  }
0x51: {  	s21 =	simm.s32 $0xA880  }
0x52: {  	[tilespmem:s21], [sflag:$0x1] =	stream.indirect_vreg.gather [hbm4b:s4+s1], $0x80, v3, vm0, $0xb8;
	[tilespmem:$0x10080] =	vst v63  }
0x53: {  	s22 =	simm.s32 $0xB080  }
0x54: {  	[tilespmem:s22], [sflag:$0x1] =	stream.indirect_vreg.gather [hbm4b:s5+s1], $0x80, v3, vm0, $0xb8;
	[tilespmem:$0x10080] =	vst v63  }
0x55: {  	s24 =	simm.s32 $0xB880  }
0x56: {  	[tilespmem:s24], [sflag:$0x1] =	stream.indirect_vreg.gather [hbm4b:s6+s1], $0x80, v3, vm0, $0xb8;
	[tilespmem:$0x10080] =	vst v63  }
0x57: {  	v3 =	vld [tilespmem:$0x30];
	_ =	sdelay $0x4  }
0x58: {  	v51 =	vshll.u32 v3, $0x3  }
0x59: {  	v3 =	vand.u32 $0x7, v3;
	v4 =	vand.u32 $0xFFFFFFC0, v51  }
0x5a: {  	v3 =	vor.u32 v3, v4  }
0x5b: {  	v4 =	vperm.xlane v3, v0;
	_ =	sdelay $0x1  }
0x5c: {  	v4 =	vadd.s32 v1, v4;
	_ =	sdelay $0x3  }
0x5d: {  	s25 =	simm.s32 $0xC080  }
0x5e: {  	[tilespmem:s25], [sflag:$0x1] =	stream.indirect_vreg.gather [hbm4b:s3+s1], $0x80, v4, vm0, $0xb8;
	[tilespmem:$0x10080] =	vst v63  }
0x5f: {  	s26 =	simm.s32 $0xC880;
	v3 =	vperm.xlane v3, v2  }
0x60: {  	[tilespmem:s26], [sflag:$0x1] =	stream.indirect_vreg.gather [hbm4b:s4+s1], $0x80, v4, vm0, $0xb8;
	[tilespmem:$0x10080] =	vst v63  }
0x61: {  	s29 =	simm.s32 $0xD080;
	v3 =	vadd.s32 v1, v3  }
0x62: {  	[tilespmem:s29], [sflag:$0x1] =	stream.indirect_vreg.gather [hbm4b:s5+s1], $0x80, v4, vm0, $0xb8;
	[tilespmem:$0x10080] =	vst v63  }
0x63: {  	s0 =	simm.s32 $0xD880  }
0x64: {  	[tilespmem:s0], [sflag:$0x1] =	stream.indirect_vreg.gather [hbm4b:s6+s1], $0x80, v4, vm0, $0xb8;
	[tilespmem:$0x10080] =	vst v63  }
0x65: {  	s16 =	simm.s32 $0xE080  }
0x66: {  	[tilespmem:s16], [sflag:$0x1] =	stream.indirect_vreg.gather [hbm4b:s3+s1], $0x80, v3, vm0, $0xb8;
	[tilespmem:$0x10080] =	vst v63  }
0x67: {  	s17 =	simm.s32 $0xE880  }
0x68: {  	[tilespmem:s17], [sflag:$0x1] =	stream.indirect_vreg.gather [hbm4b:s4+s1], $0x80, v3, vm0, $0xb8;
	[tilespmem:$0x10080] =	vst v63  }
0x69: {  	s24 =	simm.s32 $0xF080  }
0x6a: {  	[tilespmem:s24], [sflag:$0x1] =	stream.indirect_vreg.gather [hbm4b:s5+s1], $0x80, v3, vm0, $0xb8;
	[tilespmem:$0x10080] =	vst v63  }
0x6b: {  	s25 =	simm.s32 $0xF880  }
0x6c: {  	[tilespmem:s25], [sflag:$0x1] =	stream.indirect_vreg.gather [hbm4b:s6+s1], $0x80, v3, vm0, $0xb8;
	[tilespmem:$0x10080] =	vst v63  }
0x6d: {  	_ =	swait.ge [sflag:s18], $0x10000  }
0x6e: {  	[sflag:s18] =	ssyncset.done $0x0  }
0x6f: {  	s0 =	rddreg [dreg:$0x3];
	[sflag:s18] =	ssyncadd.s32 $0xFFFF0000  }
0x70: {  	[hbm4b:s0+s1] =	stream.linear.scatter [tilespmem:s23], [sflag:$0x2], $0x10000, $0x38;
	[tilespmem:$0x10080] =	vst v63  }
0x71: {  	_ =	swait.ge [sflag:s8], $0x10000  }
0x72: {  	[sflag:s8] =	ssyncset.done $0x0  }
0x73: {  	s16 =	rddreg [dreg:$0x4];
	[sflag:s8] =	ssyncadd.s32 $0xFFFF0000  }
0x74: {  	[tilespmem:s1], [sflag:$0x2] =	stream.linear.gather [hbm4b:s16+s1], $0x40, $0x38;
	[tilespmem:$0x10080] =	vst v63  }
0x75: {  	_ =	swait.ge [sflag:s8], $0x40  }
0x76: {  	[sflag:s8] =	ssyncset.done $0x0  }
0x77: {  	[sflag:s8] =	ssyncadd.s32 $0xFFFFFFC0  }
0x78: {  	v3 =	vld [tilespmem:$0x0];
	_ =	sdelay $0x4  }
0x79: {  	v52 =	vshll.u32 v3, $0x3  }
0x7a: {  	v3 =	vand.u32 $0x7, v3;
	v4 =	vand.u32 $0xFFFFFFC0, v52  }
0x7b: {  	v3 =	vor.u32 v3, v4  }
0x7c: {  	v4 =	vperm.xlane v3, v0;
	_ =	sdelay $0x1  }
0x7d: {  	v4 =	vadd.s32 v1, v4;
	_ =	sdelay $0x4  }
0x7e: {  	[tilespmem:s23], [sflag:$0x1] =	stream.indirect_vreg.gather [hbm4b:s3+s1], $0x80, v4, vm0, $0xb8;
	[tilespmem:$0x10080] =	vst v63  }
0x7f: {  	s14 =	simm.s32 $0x880;
	v3 =	vperm.xlane v3, v2  }
0x80: {  	[tilespmem:s14], [sflag:$0x1] =	stream.indirect_vreg.gather [hbm4b:s4+s1], $0x80, v4, vm0, $0xb8;
	[tilespmem:$0x10080] =	vst v63  }
0x81: {  	s2 =	simm.s32 $0x1080;
	v3 =	vadd.s32 v1, v3  }
0x82: {  	[tilespmem:s2], [sflag:$0x1] =	stream.indirect_vreg.gather [hbm4b:s5+s1], $0x80, v4, vm0, $0xb8;
	[tilespmem:$0x10080] =	vst v63  }
0x83: {  	s9 =	simm.s32 $0x1880  }
0x84: {  	[tilespmem:s9], [sflag:$0x1] =	stream.indirect_vreg.gather [hbm4b:s6+s1], $0x80, v4, vm0, $0xb8;
	[tilespmem:$0x10080] =	vst v63  }
0x85: {  	s10 =	simm.s32 $0x2080  }
0x86: {  	[tilespmem:s10], [sflag:$0x1] =	stream.indirect_vreg.gather [hbm4b:s3+s1], $0x80, v3, vm0, $0xb8;
	[tilespmem:$0x10080] =	vst v63  }
0x87: {  	s11 =	simm.s32 $0x2880  }
0x88: {  	[tilespmem:s11], [sflag:$0x1] =	stream.indirect_vreg.gather [hbm4b:s4+s1], $0x80, v3, vm0, $0xb8;
	[tilespmem:$0x10080] =	vst v63  }
0x89: {  	s12 =	simm.s32 $0x3080  }
0x8a: {  	[tilespmem:s12], [sflag:$0x1] =	stream.indirect_vreg.gather [hbm4b:s5+s1], $0x80, v3, vm0, $0xb8;
	[tilespmem:$0x10080] =	vst v63  }
0x8b: {  	s15 =	simm.s32 $0x3880  }
0x8c: {  	[tilespmem:s15], [sflag:$0x1] =	stream.indirect_vreg.gather [hbm4b:s6+s1], $0x80, v3, vm0, $0xb8;
	[tilespmem:$0x10080] =	vst v63  }
0x8d: {  	v3 =	vld [tilespmem:$0x10];
	_ =	sdelay $0x4  }
0x8e: {  	v53 =	vshll.u32 v3, $0x3  }
0x8f: {  	v3 =	vand.u32 $0x7, v3;
	v4 =	vand.u32 $0xFFFFFFC0, v53  }
0x90: {  	v3 =	vor.u32 v3, v4  }
0x91: {  	v4 =	vperm.xlane v3, v0;
	_ =	sdelay $0x1  }
0x92: {  	v4 =	vadd.s32 v1, v4;
	_ =	sdelay $0x3  }
0x93: {  	s16 =	simm.s32 $0x4080  }
0x94: {  	[tilespmem:s16], [sflag:$0x1] =	stream.indirect_vreg.gather [hbm4b:s3+s1], $0x80, v4, vm0, $0xb8;
	[tilespmem:$0x10080] =	vst v63  }
0x95: {  	s31 =	simm.s32 $0x4880;
	v3 =	vperm.xlane v3, v2  }
0x96: {  	[tilespmem:s31], [sflag:$0x1] =	stream.indirect_vreg.gather [hbm4b:s4+s1], $0x80, v4, vm0, $0xb8;
	[tilespmem:$0x10080] =	vst v63  }
0x97: {  	s13 =	simm.s32 $0x5080;
	v3 =	vadd.s32 v1, v3  }
0x98: {  	[tilespmem:s13], [sflag:$0x1] =	stream.indirect_vreg.gather [hbm4b:s5+s1], $0x80, v4, vm0, $0xb8;
	[tilespmem:$0x10080] =	vst v63  }
0x99: {  	s31 =	simm.s32 $0x5880  }
0x9a: {  	[tilespmem:s31], [sflag:$0x1] =	stream.indirect_vreg.gather [hbm4b:s6+s1], $0x80, v4, vm0, $0xb8;
	[tilespmem:$0x10080] =	vst v63  }
0x9b: {  	s0 =	simm.s32 $0x6080  }
0x9c: {  	[tilespmem:s0], [sflag:$0x1] =	stream.indirect_vreg.gather [hbm4b:s3+s1], $0x80, v3, vm0, $0xb8;
	[tilespmem:$0x10080] =	vst v63  }
0x9d: {  	s2 =	simm.s32 $0x6880  }
0x9e: {  	[tilespmem:s2], [sflag:$0x1] =	stream.indirect_vreg.gather [hbm4b:s4+s1], $0x80, v3, vm0, $0xb8;
	[tilespmem:$0x10080] =	vst v63  }
0x9f: {  	s9 =	simm.s32 $0x7080  }
0xa0: {  	[tilespmem:s9], [sflag:$0x1] =	stream.indirect_vreg.gather [hbm4b:s5+s1], $0x80, v3, vm0, $0xb8;
	[tilespmem:$0x10080] =	vst v63  }
0xa1: {  	s13 =	simm.s32 $0x7880  }
0xa2: {  	[tilespmem:s13], [sflag:$0x1] =	stream.indirect_vreg.gather [hbm4b:s6+s1], $0x80, v3, vm0, $0xb8;
	[tilespmem:$0x10080] =	vst v63  }
0xa3: {  	v3 =	vld [tilespmem:$0x20];
	_ =	sdelay $0x4  }
0xa4: {  	v54 =	vshll.u32 v3, $0x3  }
0xa5: {  	v3 =	vand.u32 $0x7, v3;
	v4 =	vand.u32 $0xFFFFFFC0, v54  }
0xa6: {  	v3 =	vor.u32 v3, v4  }
0xa7: {  	v4 =	vperm.xlane v3, v0;
	_ =	sdelay $0x1  }
0xa8: {  	v4 =	vadd.s32 v1, v4;
	_ =	sdelay $0x3  }
0xa9: {  	s14 =	simm.s32 $0x8080  }
0xaa: {  	[tilespmem:s14], [sflag:$0x1] =	stream.indirect_vreg.gather [hbm4b:s3+s1], $0x80, v4, vm0, $0xb8;
	[tilespmem:$0x10080] =	vst v63  }
0xab: {  	s15 =	simm.s32 $0x8880;
	v3 =	vperm.xlane v3, v2  }
0xac: {  	[tilespmem:s15], [sflag:$0x1] =	stream.indirect_vreg.gather [hbm4b:s4+s1], $0x80, v4, vm0, $0xb8;
	[tilespmem:$0x10080] =	vst v63  }
0xad: {  	s10 =	simm.s32 $0x9080;
	v3 =	vadd.s32 v1, v3  }
0xae: {  	[tilespmem:s10], [sflag:$0x1] =	stream.indirect_vreg.gather [hbm4b:s5+s1], $0x80, v4, vm0, $0xb8;
	[tilespmem:$0x10080] =	vst v63  }
0xaf: {  	s11 =	simm.s32 $0x9880  }
0xb0: {  	[tilespmem:s11], [sflag:$0x1] =	stream.indirect_vreg.gather [hbm4b:s6+s1], $0x80, v4, vm0, $0xb8;
	[tilespmem:$0x10080] =	vst v63  }
0xb1: {  	s12 =	simm.s32 $0xA080  }
0xb2: {  	[tilespmem:s12], [sflag:$0x1] =	stream.indirect_vreg.gather [hbm4b:s3+s1], $0x80, v3, vm0, $0xb8;
	[tilespmem:$0x10080] =	vst v63  }
0xb3: {  	s30 =	simm.s32 $0xA880  }
0xb4: {  	[tilespmem:s30], [sflag:$0x1] =	stream.indirect_vreg.gather [hbm4b:s4+s1], $0x80, v3, vm0, $0xb8;
	[tilespmem:$0x10080] =	vst v63  }
0xb5: {  	s28 =	simm.s32 $0xB080  }
0xb6: {  	[tilespmem:s28], [sflag:$0x1] =	stream.indirect_vreg.gather [hbm4b:s5+s1], $0x80, v3, vm0, $0xb8;
	[tilespmem:$0x10080] =	vst v63  }
0xb7: {  	s20 =	simm.s32 $0xB880  }
0xb8: {  	[tilespmem:s20], [sflag:$0x1] =	stream.indirect_vreg.gather [hbm4b:s6+s1], $0x80, v3, vm0, $0xb8;
	[tilespmem:$0x10080] =	vst v63  }
0xb9: {  	v3 =	vld [tilespmem:$0x30];
	_ =	sdelay $0x4  }
0xba: {  	v55 =	vshll.u32 v3, $0x3  }
0xbb: {  	v3 =	vand.u32 $0x7, v3;
	v4 =	vand.u32 $0xFFFFFFC0, v55  }
0xbc: {  	v3 =	vor.u32 v3, v4  }
0xbd: {  	v4 =	vperm.xlane v3, v0;
	_ =	sdelay $0x1  }
0xbe: {  	v4 =	vadd.s32 v1, v4;
	_ =	sdelay $0x3  }
0xbf: {  	s21 =	simm.s32 $0xC080  }
0xc0: {  	[tilespmem:s21], [sflag:$0x1] =	stream.indirect_vreg.gather [hbm4b:s3+s1], $0x80, v4, vm0, $0xb8;
	[tilespmem:$0x10080] =	vst v63  }
0xc1: {  	s22 =	simm.s32 $0xC880;
	v3 =	vperm.xlane v3, v2  }
0xc2: {  	[tilespmem:s22], [sflag:$0x1] =	stream.indirect_vreg.gather [hbm4b:s4+s1], $0x80, v4, vm0, $0xb8;
	[tilespmem:$0x10080] =	vst v63  }
0xc3: {  	v3 =	vadd.s32 v1, v3;
	s22 =	simm.s32 $0xD080  }
0xc4: {  	[tilespmem:s22], [sflag:$0x1] =	stream.indirect_vreg.gather [hbm4b:s5+s1], $0x80, v4, vm0, $0xb8;
	[tilespmem:$0x10080] =	vst v63  }
0xc5: {  	s26 =	simm.s32 $0xD880  }
0xc6: {  	[tilespmem:s26], [sflag:$0x1] =	stream.indirect_vreg.gather [hbm4b:s6+s1], $0x80, v4, vm0, $0xb8;
	[tilespmem:$0x10080] =	vst v63  }
0xc7: {  	s29 =	simm.s32 $0xE080  }
0xc8: {  	[tilespmem:s29], [sflag:$0x1] =	stream.indirect_vreg.gather [hbm4b:s3+s1], $0x80, v3, vm0, $0xb8;
	[tilespmem:$0x10080] =	vst v63  }
0xc9: {  	s26 =	simm.s32 $0xE880  }
0xca: {  	[tilespmem:s26], [sflag:$0x1] =	stream.indirect_vreg.gather [hbm4b:s4+s1], $0x80, v3, vm0, $0xb8;
	[tilespmem:$0x10080] =	vst v63  }
0xcb: {  	s30 =	simm.s32 $0xF080  }
0xcc: {  	[tilespmem:s30], [sflag:$0x1] =	stream.indirect_vreg.gather [hbm4b:s5+s1], $0x80, v3, vm0, $0xb8;
	[tilespmem:$0x10080] =	vst v63  }
0xcd: {  	s17 =	simm.s32 $0xF880  }
0xce: {  	[tilespmem:s17], [sflag:$0x1] =	stream.indirect_vreg.gather [hbm4b:s6+s1], $0x80, v3, vm0, $0xb8;
	[tilespmem:$0x10080] =	vst v63  }
0xcf: {  	_ =	swait.ge [sflag:s18], $0x10000  }
0xd0: {  	[sflag:s18] =	ssyncset.done $0x0  }
0xd1: {  	s21 =	rddreg [dreg:$0x5];
	[sflag:s18] =	ssyncadd.s32 $0xFFFF0000  }
0xd2: {  	[hbm4b:s21+s1] =	stream.linear.scatter [tilespmem:s23], [sflag:$0x2], $0x10000, $0x38;
	[tilespmem:$0x10080] =	vst v63  }
0xd3: {  	_ =	swait.ge [sflag:s8], $0x10000  }
0xd4: {  	[sflag:s8] =	ssyncset.done $0x0  }
0xd5: {  	s17 =	rddreg [dreg:$0x6];
	[sflag:s8] =	ssyncadd.s32 $0xFFFF0000  }
0xd6: {  	[tilespmem:s1], [sflag:$0x2] =	stream.linear.gather [hbm4b:s17+s1], $0x40, $0x38;
	[tilespmem:$0x10080] =	vst v63  }
0xd7: {  	_ =	swait.ge [sflag:s8], $0x40  }
0xd8: {  	[sflag:s8] =	ssyncset.done $0x0  }
0xd9: {  	[sflag:s8] =	ssyncadd.s32 $0xFFFFFFC0  }
0xda: {  	v3 =	vld [tilespmem:$0x0];
	_ =	sdelay $0x4  }
0xdb: {  	v56 =	vshll.u32 v3, $0x3  }
0xdc: {  	v3 =	vand.u32 $0x7, v3;
	v4 =	vand.u32 $0xFFFFFFC0, v56  }
0xdd: {  	v3 =	vor.u32 v3, v4  }
0xde: {  	v4 =	vperm.xlane v3, v0;
	_ =	sdelay $0x1  }
0xdf: {  	v4 =	vadd.s32 v1, v4;
	_ =	sdelay $0x4  }
0xe0: {  	[tilespmem:s23], [sflag:$0x1] =	stream.indirect_vreg.gather [hbm4b:s3+s1], $0x80, v4, vm0, $0xb8;
	[tilespmem:$0x10080] =	vst v63  }
0xe1: {  	s21 =	simm.s32 $0x880;
	v3 =	vperm.xlane v3, v2  }
0xe2: {  	[tilespmem:s21], [sflag:$0x1] =	stream.indirect_vreg.gather [hbm4b:s4+s1], $0x80, v4, vm0, $0xb8;
	[tilespmem:$0x10080] =	vst v63  }
0xe3: {  	s25 =	simm.s32 $0x1080;
	v3 =	vadd.s32 v1, v3  }
0xe4: {  	[tilespmem:s25], [sflag:$0x1] =	stream.indirect_vreg.gather [hbm4b:s5+s1], $0x80, v4, vm0, $0xb8;
	[tilespmem:$0x10080] =	vst v63  }
0xe5: {  	s25 =	simm.s32 $0x1880  }
0xe6: {  	[tilespmem:s25], [sflag:$0x1] =	stream.indirect_vreg.gather [hbm4b:s6+s1], $0x80, v4, vm0, $0xb8;
	[tilespmem:$0x10080] =	vst v63  }
0xe7: {  	s19 =	simm.s32 $0x2080  }
0xe8: {  	[tilespmem:s19], [sflag:$0x1] =	stream.indirect_vreg.gather [hbm4b:s3+s1], $0x80, v3, vm0, $0xb8;
	[tilespmem:$0x10080] =	vst v63  }
0xe9: {  	s25 =	simm.s32 $0x2880  }
0xea: {  	[tilespmem:s25], [sflag:$0x1] =	stream.indirect_vreg.gather [hbm4b:s4+s1], $0x80, v3, vm0, $0xb8;
	[tilespmem:$0x10080] =	vst v63  }
0xeb: {  	s19 =	simm.s32 $0x3080  }
0xec: {  	[tilespmem:s19], [sflag:$0x1] =	stream.indirect_vreg.gather [hbm4b:s5+s1], $0x80, v3, vm0, $0xb8;
	[tilespmem:$0x10080] =	vst v63  }
0xed: {  	s25 =	simm.s32 $0x3880  }
0xee: {  	[tilespmem:s25], [sflag:$0x1] =	stream.indirect_vreg.gather [hbm4b:s6+s1], $0x80, v3, vm0, $0xb8;
	[tilespmem:$0x10080] =	vst v63  }
0xef: {  	v3 =	vld [tilespmem:$0x10];
	_ =	sdelay $0x4  }
0xf0: {  	v57 =	vshll.u32 v3, $0x3  }
0xf1: {  	v3 =	vand.u32 $0x7, v3;
	v4 =	vand.u32 $0xFFFFFFC0, v57  }
0xf2: {  	v3 =	vor.u32 v3, v4  }
0xf3: {  	v4 =	vperm.xlane v3, v0;
	_ =	sdelay $0x1  }
0xf4: {  	v4 =	vadd.s32 v1, v4;
	_ =	sdelay $0x4  }
0xf5: {  	[tilespmem:s16], [sflag:$0x1] =	stream.indirect_vreg.gather [hbm4b:s3+s1], $0x80, v4, vm0, $0xb8;
	[tilespmem:$0x10080] =	vst v63  }
0xf6: {  	s19 =	simm.s32 $0x4880;
	v3 =	vperm.xlane v3, v2  }
0xf7: {  	[tilespmem:s19], [sflag:$0x1] =	stream.indirect_vreg.gather [hbm4b:s4+s1], $0x80, v4, vm0, $0xb8;
	[tilespmem:$0x10080] =	vst v63  }
0xf8: {  	s25 =	simm.s32 $0x5080;
	v3 =	vadd.s32 v1, v3  }
0xf9: {  	[tilespmem:s25], [sflag:$0x1] =	stream.indirect_vreg.gather [hbm4b:s5+s1], $0x80, v4, vm0, $0xb8;
	[tilespmem:$0x10080] =	vst v63  }
0xfa: {  	_ = 	snop  }
0xfb: {  	[tilespmem:s31], [sflag:$0x1] =	stream.indirect_vreg.gather [hbm4b:s6+s1], $0x80, v4, vm0, $0xb8;
	[tilespmem:$0x10080] =	vst v63  }
0xfc: {  	_ = 	snop  }
0xfd: {  	[tilespmem:s0], [sflag:$0x1] =	stream.indirect_vreg.gather [hbm4b:s3+s1], $0x80, v3, vm0, $0xb8;
	[tilespmem:$0x10080] =	vst v63  }
0xfe: {  	_ = 	snop  }
0xff: {  	[tilespmem:s2], [sflag:$0x1] =	stream.indirect_vreg.gather [hbm4b:s4+s1], $0x80, v3, vm0, $0xb8;
	[tilespmem:$0x10080] =	vst v63  }
0x100: {  	_ = 	snop  }
0x101: {  	[tilespmem:s9], [sflag:$0x1] =	stream.indirect_vreg.gather [hbm4b:s5+s1], $0x80, v3, vm0, $0xb8;
	[tilespmem:$0x10080] =	vst v63  }
0x102: {  	_ = 	snop  }
0x103: {  	[tilespmem:s13], [sflag:$0x1] =	stream.indirect_vreg.gather [hbm4b:s6+s1], $0x80, v3, vm0, $0xb8;
	[tilespmem:$0x10080] =	vst v63  }
0x104: {  	v3 =	vld [tilespmem:$0x20];
	_ =	sdelay $0x4  }
0x105: {  	v58 =	vshll.u32 v3, $0x3  }
0x106: {  	v3 =	vand.u32 $0x7, v3;
	v4 =	vand.u32 $0xFFFFFFC0, v58  }
0x107: {  	v3 =	vor.u32 v3, v4  }
0x108: {  	v4 =	vperm.xlane v3, v0;
	_ =	sdelay $0x1  }
0x109: {  	v4 =	vadd.s32 v1, v4;
	_ =	sdelay $0x4  }
0x10a: {  	[tilespmem:s14], [sflag:$0x1] =	stream.indirect_vreg.gather [hbm4b:s3+s1], $0x80, v4, vm0, $0xb8;
	[tilespmem:$0x10080] =	vst v63  }
0x10b: {  	v3 =	vperm.xlane v3, v2  }
0x10c: {  	[tilespmem:s15], [sflag:$0x1] =	stream.indirect_vreg.gather [hbm4b:s4+s1], $0x80, v4, vm0, $0xb8;
	[tilespmem:$0x10080] =	vst v63  }
0x10d: {  	v3 =	vadd.s32 v1, v3  }
0x10e: {  	[tilespmem:s10], [sflag:$0x1] =	stream.indirect_vreg.gather [hbm4b:s5+s1], $0x80, v4, vm0, $0xb8;
	[tilespmem:$0x10080] =	vst v63  }
0x10f: {  	_ = 	snop  }
0x110: {  	[tilespmem:s11], [sflag:$0x1] =	stream.indirect_vreg.gather [hbm4b:s6+s1], $0x80, v4, vm0, $0xb8;
	[tilespmem:$0x10080] =	vst v63  }
0x111: {  	_ = 	snop  }
0x112: {  	[tilespmem:s12], [sflag:$0x1] =	stream.indirect_vreg.gather [hbm4b:s3+s1], $0x80, v3, vm0, $0xb8;
	[tilespmem:$0x10080] =	vst v63  }
0x113: {  	s24 =	simm.s32 $0xA880  }
0x114: {  	[tilespmem:s24], [sflag:$0x1] =	stream.indirect_vreg.gather [hbm4b:s4+s1], $0x80, v3, vm0, $0xb8;
	[tilespmem:$0x10080] =	vst v63  }
0x115: {  	s28 =	simm.s32 $0xB080  }
0x116: {  	[tilespmem:s28], [sflag:$0x1] =	stream.indirect_vreg.gather [hbm4b:s5+s1], $0x80, v3, vm0, $0xb8;
	[tilespmem:$0x10080] =	vst v63  }
0x117: {  	s28 =	simm.s32 $0xB880  }
0x118: {  	[tilespmem:s28], [sflag:$0x1] =	stream.indirect_vreg.gather [hbm4b:s6+s1], $0x80, v3, vm0, $0xb8;
	[tilespmem:$0x10080] =	vst v63  }
0x119: {  	v3 =	vld [tilespmem:$0x30];
	_ =	sdelay $0x4  }
0x11a: {  	v59 =	vshll.u32 v3, $0x3  }
0x11b: {  	v3 =	vand.u32 $0x7, v3;
	v4 =	vand.u32 $0xFFFFFFC0, v59  }
0x11c: {  	v3 =	vor.u32 v3, v4  }
0x11d: {  	v4 =	vperm.xlane v3, v0;
	_ =	sdelay $0x1  }
0x11e: {  	v4 =	vadd.s32 v1, v4;
	_ =	sdelay $0x3  }
0x11f: {  	s24 =	simm.s32 $0xC080  }
0x120: {  	[tilespmem:s24], [sflag:$0x1] =	stream.indirect_vreg.gather [hbm4b:s3+s1], $0x80, v4, vm0, $0xb8;
	[tilespmem:$0x10080] =	vst v63  }
0x121: {  	s25 =	simm.s32 $0xC880;
	v3 =	vperm.xlane v3, v2  }
0x122: {  	[tilespmem:s25], [sflag:$0x1] =	stream.indirect_vreg.gather [hbm4b:s4+s1], $0x80, v4, vm0, $0xb8;
	[tilespmem:$0x10080] =	vst v63  }
0x123: {  	s20 =	simm.s32 $0xD080;
	v3 =	vadd.s32 v1, v3  }
0x124: {  	[tilespmem:s20], [sflag:$0x1] =	stream.indirect_vreg.gather [hbm4b:s5+s1], $0x80, v4, vm0, $0xb8;
	[tilespmem:$0x10080] =	vst v63  }
0x125: {  	s22 =	simm.s32 $0xD880  }
0x126: {  	[tilespmem:s22], [sflag:$0x1] =	stream.indirect_vreg.gather [hbm4b:s6+s1], $0x80, v4, vm0, $0xb8;
	[tilespmem:$0x10080] =	vst v63  }
0x127: {  	s29 =	simm.s32 $0xE080  }
0x128: {  	[tilespmem:s29], [sflag:$0x1] =	stream.indirect_vreg.gather [hbm4b:s3+s1], $0x80, v3, vm0, $0xb8;
	[tilespmem:$0x10080] =	vst v63  }
0x129: {  	s26 =	simm.s32 $0xE880  }
0x12a: {  	[tilespmem:s26], [sflag:$0x1] =	stream.indirect_vreg.gather [hbm4b:s4+s1], $0x80, v3, vm0, $0xb8;
	[tilespmem:$0x10080] =	vst v63  }
0x12b: {  	s30 =	simm.s32 $0xF080  }
0x12c: {  	[tilespmem:s30], [sflag:$0x1] =	stream.indirect_vreg.gather [hbm4b:s5+s1], $0x80, v3, vm0, $0xb8;
	[tilespmem:$0x10080] =	vst v63  }
0x12d: {  	s26 =	simm.s32 $0xF880  }
0x12e: {  	[tilespmem:s26], [sflag:$0x1] =	stream.indirect_vreg.gather [hbm4b:s6+s1], $0x80, v3, vm0, $0xb8;
	[tilespmem:$0x10080] =	vst v63  }
0x12f: {  	_ =	swait.ge [sflag:s18], $0x10000  }
0x130: {  	[sflag:s18] =	ssyncset.done $0x0  }
0x131: {  	s29 =	rddreg [dreg:$0x7];
	[sflag:s18] =	ssyncadd.s32 $0xFFFF0000  }
0x132: {  	[hbm4b:s29+s1] =	stream.linear.scatter [tilespmem:s23], [sflag:$0x2], $0x10000, $0x38;
	[tilespmem:$0x10080] =	vst v63  }
0x133: {  	_ =	swait.ge [sflag:s8], $0x10000  }
0x134: {  	[sflag:s8] =	ssyncset.done $0x0  }
0x135: {  	s30 =	rddreg [dreg:$0x8];
	[sflag:s8] =	ssyncadd.s32 $0xFFFF0000  }
0x136: {  	[tilespmem:s1], [sflag:$0x2] =	stream.linear.gather [hbm4b:s30+s1], $0x40, $0x38;
	[tilespmem:$0x10080] =	vst v63  }
0x137: {  	_ =	swait.ge [sflag:s8], $0x40  }
0x138: {  	[sflag:s8] =	ssyncset.done $0x0  }
0x139: {  	[sflag:s8] =	ssyncadd.s32 $0xFFFFFFC0  }
0x13a: {  	v3 =	vld [tilespmem:$0x0];
	_ =	sdelay $0x4  }
0x13b: {  	v60 =	vshll.u32 v3, $0x3  }
0x13c: {  	v3 =	vand.u32 $0x7, v3;
	v4 =	vand.u32 $0xFFFFFFC0, v60  }
0x13d: {  	v3 =	vor.u32 v3, v4  }
0x13e: {  	v4 =	vperm.xlane v3, v0;
	_ =	sdelay $0x1  }
0x13f: {  	v4 =	vadd.s32 v1, v4;
	_ =	sdelay $0x4  }
0x140: {  	[tilespmem:s23], [sflag:$0x1] =	stream.indirect_vreg.gather [hbm4b:s3+s1], $0x80, v4, vm0, $0xb8;
	[tilespmem:$0x10080] =	vst v63  }
0x141: {  	s29 =	simm.s32 $0x880;
	v3 =	vperm.xlane v3, v2  }
0x142: {  	[tilespmem:s29], [sflag:$0x1] =	stream.indirect_vreg.gather [hbm4b:s4+s1], $0x80, v4, vm0, $0xb8;
	[tilespmem:$0x10080] =	vst v63  }
0x143: {  	s21 =	simm.s32 $0x1080;
	v3 =	vadd.s32 v1, v3  }
0x144: {  	[tilespmem:s21], [sflag:$0x1] =	stream.indirect_vreg.gather [hbm4b:s5+s1], $0x80, v4, vm0, $0xb8;
	[tilespmem:$0x10080] =	vst v63  }
0x145: {  	s30 =	simm.s32 $0x1880  }
0x146: {  	[tilespmem:s30], [sflag:$0x1] =	stream.indirect_vreg.gather [hbm4b:s6+s1], $0x80, v4, vm0, $0xb8;
	[tilespmem:$0x10080] =	vst v63  }
0x147: {  	s21 =	simm.s32 $0x2080  }
0x148: {  	[tilespmem:s21], [sflag:$0x1] =	stream.indirect_vreg.gather [hbm4b:s3+s1], $0x80, v3, vm0, $0xb8;
	[tilespmem:$0x10080] =	vst v63  }
0x149: {  	s29 =	simm.s32 $0x2880  }
0x14a: {  	[tilespmem:s29], [sflag:$0x1] =	stream.indirect_vreg.gather [hbm4b:s4+s1], $0x80, v3, vm0, $0xb8;
	[tilespmem:$0x10080] =	vst v63  }
0x14b: {  	s30 =	simm.s32 $0x3080  }
0x14c: {  	[tilespmem:s30], [sflag:$0x1] =	stream.indirect_vreg.gather [hbm4b:s5+s1], $0x80, v3, vm0, $0xb8;
	[tilespmem:$0x10080] =	vst v63  }
0x14d: {  	s21 =	simm.s32 $0x3880  }
0x14e: {  	[tilespmem:s21], [sflag:$0x1] =	stream.indirect_vreg.gather [hbm4b:s6+s1], $0x80, v3, vm0, $0xb8;
	[tilespmem:$0x10080] =	vst v63  }
0x14f: {  	v3 =	vld [tilespmem:$0x10];
	_ =	sdelay $0x4  }
0x150: {  	v61 =	vshll.u32 v3, $0x3  }
0x151: {  	v3 =	vand.u32 $0x7, v3;
	v4 =	vand.u32 $0xFFFFFFC0, v61  }
0x152: {  	v3 =	vor.u32 v3, v4  }
0x153: {  	v4 =	vperm.xlane v3, v0;
	_ =	sdelay $0x1  }
0x154: {  	v4 =	vadd.s32 v1, v4;
	_ =	sdelay $0x3  }
0x155: {  	s16 =	simm.s32 $0x4080  }
0x156: {  	[tilespmem:s16], [sflag:$0x1] =	stream.indirect_vreg.gather [hbm4b:s3+s1], $0x80, v4, vm0, $0xb8;
	[tilespmem:$0x10080] =	vst v63  }
0x157: {  	s29 =	simm.s32 $0x4880;
	v3 =	vperm.xlane v3, v2  }
0x158: {  	[tilespmem:s29], [sflag:$0x1] =	stream.indirect_vreg.gather [hbm4b:s4+s1], $0x80, v4, vm0, $0xb8;
	[tilespmem:$0x10080] =	vst v63  }
0x159: {  	s30 =	simm.s32 $0x5080;
	v3 =	vadd.s32 v1, v3  }
0x15a: {  	[tilespmem:s30], [sflag:$0x1] =	stream.indirect_vreg.gather [hbm4b:s5+s1], $0x80, v4, vm0, $0xb8;
	[tilespmem:$0x10080] =	vst v63  }
0x15b: {  	s17 =	simm.s32 $0x5880  }
0x15c: {  	[tilespmem:s17], [sflag:$0x1] =	stream.indirect_vreg.gather [hbm4b:s6+s1], $0x80, v4, vm0, $0xb8;
	[tilespmem:$0x10080] =	vst v63  }
0x15d: {  	s0 =	simm.s32 $0x6080  }
0x15e: {  	[tilespmem:s0], [sflag:$0x1] =	stream.indirect_vreg.gather [hbm4b:s3+s1], $0x80, v3, vm0, $0xb8;
	[tilespmem:$0x10080] =	vst v63  }
0x15f: {  	s2 =	simm.s32 $0x6880  }
0x160: {  	[tilespmem:s2], [sflag:$0x1] =	stream.indirect_vreg.gather [hbm4b:s4+s1], $0x80, v3, vm0, $0xb8;
	[tilespmem:$0x10080] =	vst v63  }
0x161: {  	s9 =	simm.s32 $0x7080  }
0x162: {  	[tilespmem:s9], [sflag:$0x1] =	stream.indirect_vreg.gather [hbm4b:s5+s1], $0x80, v3, vm0, $0xb8;
	[tilespmem:$0x10080] =	vst v63  }
0x163: {  	s13 =	simm.s32 $0x7880  }
0x164: {  	[tilespmem:s13], [sflag:$0x1] =	stream.indirect_vreg.gather [hbm4b:s6+s1], $0x80, v3, vm0, $0xb8;
	[tilespmem:$0x10080] =	vst v63  }
0x165: {  	v3 =	vld [tilespmem:$0x20];
	_ =	sdelay $0x4  }
0x166: {  	v62 =	vshll.u32 v3, $0x3  }
0x167: {  	v3 =	vand.u32 $0x7, v3;
	v4 =	vand.u32 $0xFFFFFFC0, v62  }
0x168: {  	v3 =	vor.u32 v3, v4  }
0x169: {  	v4 =	vperm.xlane v3, v0;
	_ =	sdelay $0x1  }
0x16a: {  	v4 =	vadd.s32 v1, v4;
	_ =	sdelay $0x3  }
0x16b: {  	s14 =	simm.s32 $0x8080  }
0x16c: {  	[tilespmem:s14], [sflag:$0x1] =	stream.indirect_vreg.gather [hbm4b:s3+s1], $0x80, v4, vm0, $0xb8;
	[tilespmem:$0x10080] =	vst v63  }
0x16d: {  	s15 =	simm.s32 $0x8880;
	v3 =	vperm.xlane v3, v2  }
0x16e: {  	[tilespmem:s15], [sflag:$0x1] =	stream.indirect_vreg.gather [hbm4b:s4+s1], $0x80, v4, vm0, $0xb8;
	[tilespmem:$0x10080] =	vst v63  }
0x16f: {  	s10 =	simm.s32 $0x9080;
	v3 =	vadd.s32 v1, v3  }
0x170: {  	[tilespmem:s10], [sflag:$0x1] =	stream.indirect_vreg.gather [hbm4b:s5+s1], $0x80, v4, vm0, $0xb8;
	[tilespmem:$0x10080] =	vst v63  }
0x171: {  	s11 =	simm.s32 $0x9880  }
0x172: {  	[tilespmem:s11], [sflag:$0x1] =	stream.indirect_vreg.gather [hbm4b:s6+s1], $0x80, v4, vm0, $0xb8;
	[tilespmem:$0x10080] =	vst v63  }
0x173: {  	s12 =	simm.s32 $0xA080  }
0x174: {  	[tilespmem:s12], [sflag:$0x1] =	stream.indirect_vreg.gather [hbm4b:s3+s1], $0x80, v3, vm0, $0xb8;
	[tilespmem:$0x10080] =	vst v63  }
0x175: {  	s31 =	simm.s32 $0xA880  }
0x176: {  	[tilespmem:s31], [sflag:$0x1] =	stream.indirect_vreg.gather [hbm4b:s4+s1], $0x80, v3, vm0, $0xb8;
	[tilespmem:$0x10080] =	vst v63  }
0x177: {  	s19 =	simm.s32 $0xB080  }
0x178: {  	[tilespmem:s19], [sflag:$0x1] =	stream.indirect_vreg.gather [hbm4b:s5+s1], $0x80, v3, vm0, $0xb8;
	[tilespmem:$0x10080] =	vst v63  }
0x179: {  	s21 =	simm.s32 $0xB880  }
0x17a: {  	[tilespmem:s21], [sflag:$0x1] =	stream.indirect_vreg.gather [hbm4b:s6+s1], $0x80, v3, vm0, $0xb8;
	[tilespmem:$0x10080] =	vst v63  }
0x17b: {  	v3 =	vld [tilespmem:$0x30];
	_ =	sdelay $0x4  }
0x17c: {  	v63 =	vshll.u32 v3, $0x3  }
0x17d: {  	v3 =	vand.u32 $0x7, v3;
	v4 =	vand.u32 $0xFFFFFFC0, v63  }
0x17e: {  	v3 =	vor.u32 v3, v4  }
0x17f: {  	v4 =	vperm.xlane v3, v0;
	_ =	sdelay $0x1  }
0x180: {  	v4 =	vadd.s32 v1, v4;
	_ =	sdelay $0x3  }
0x181: {  	s29 =	simm.s32 $0xC080  }
0x182: {  	[tilespmem:s29], [sflag:$0x1] =	stream.indirect_vreg.gather [hbm4b:s3+s1], $0x80, v4, vm0, $0xb8;
	[tilespmem:$0x10080] =	vst v63  }
0x183: {  	s30 =	simm.s32 $0xC880;
	v3 =	vperm.xlane v3, v2  }
0x184: {  	[tilespmem:s30], [sflag:$0x1] =	stream.indirect_vreg.gather [hbm4b:s4+s1], $0x80, v4, vm0, $0xb8;
	[tilespmem:$0x10080] =	vst v63  }
0x185: {  	s28 =	simm.s32 $0xD080;
	v3 =	vadd.s32 v1, v3  }
0x186: {  	[tilespmem:s28], [sflag:$0x1] =	stream.indirect_vreg.gather [hbm4b:s5+s1], $0x80, v4, vm0, $0xb8;
	[tilespmem:$0x10080] =	vst v63  }
0x187: {  	s20 =	simm.s32 $0xD880  }
0x188: {  	[tilespmem:s20], [sflag:$0x1] =	stream.indirect_vreg.gather [hbm4b:s6+s1], $0x80, v4, vm0, $0xb8;
	[tilespmem:$0x10080] =	vst v63  }
0x189: {  	s24 =	simm.s32 $0xE080  }
0x18a: {  	[tilespmem:s24], [sflag:$0x1] =	stream.indirect_vreg.gather [hbm4b:s3+s1], $0x80, v3, vm0, $0xb8;
	[tilespmem:$0x10080] =	vst v63  }
0x18b: {  	s22 =	simm.s32 $0xE880  }
0x18c: {  	[tilespmem:s22], [sflag:$0x1] =	stream.indirect_vreg.gather [hbm4b:s4+s1], $0x80, v3, vm0, $0xb8;
	[tilespmem:$0x10080] =	vst v63  }
0x18d: {  	s25 =	simm.s32 $0xF080  }
0x18e: {  	[tilespmem:s25], [sflag:$0x1] =	stream.indirect_vreg.gather [hbm4b:s5+s1], $0x80, v3, vm0, $0xb8;
	[tilespmem:$0x10080] =	vst v63  }
0x18f: {  	s26 =	simm.s32 $0xF880  }
0x190: {  	[tilespmem:s26], [sflag:$0x1] =	stream.indirect_vreg.gather [hbm4b:s6+s1], $0x80, v3, vm0, $0xb8;
	[tilespmem:$0x10080] =	vst v63  }
0x191: {  	_ =	swait.ge [sflag:s18], $0x10000  }
0x192: {  	p0 =	sne.s32 s7, $0x1;
	[sflag:s18] =	ssyncset.done $0x0  }
.Ltmp0:
0x193: {  	s31 =	rddreg [dreg:$0x9];
	[sflag:s18] =	ssyncadd.s32 $0xFFFF0000;
	(pc) =	sbr.rel @p0 .LBB2_1-.Ltmp0, $4  }
0x194: {  	[hbm4b:s31+s1] =	stream.linear.scatter [tilespmem:s23], [sflag:$0x2], $0x10000, $0x38;
	[tilespmem:$0x10080] =	vst v63  }
0x195: {  	_ =	swait.ge [sflag:s8], $0x10000  }
0x196: {  	[sflag:s8] =	ssyncset.done $0x0  }
0x197: {  	s7 =	sadd.s32 $0xFFFFFFFF, s7;
	[sflag:s8] =	ssyncadd.s32 $0xFFFF0000  }
0x198: {  	_ =	sfence.sel $0x180000  }
0x199: {  	[bflag:$0x0] =	sbarrier.arrive $0xFFFF  }
0x19a: {  	_ =	strace $0x9000004D  }
0x19b: {  	s0 =	stileid.u32;
	[bflag:$0x2] =	sbarrier.arrive $0xFFFF  }
0x19c: {  	p0 =	sne.s32 s0, $0x0;
	s0 =	rddreg [dreg:$0x1]  }
0x19d: {  	s0 =	sadd.s32 @!p0 $0x100000, s0  }
0x19e: {  	[sflag:s0] =	ssyncadd.tile.s32 @!p0 $0x1;
	_ =	shalt  }
.Lfunc_end2:
_tile_overlayer_lowered:
.L_overlay_start_2:
0x19f: {  	(tag) =	ssettag $0x2  }
0x1a0: {  	s0 =	rddreg [dreg:$0x0];
	s2 =	stileid.u32  }
0x1a1: {  	s1 =	rddreg [dreg:$0x1];
	p0 =	sne.s32 s2, $0x0  }
0x1a2: {  	s3 =	rddreg [dreg:$0x2];
	[bflag:$0x3] =	sbarrier.arrive $0xFFFF;
	s2 =	simm.s32 @!p0 $0x1C02  }
0x1a3: {  	[timem:s3], [sflag:s2] =	dma.local @!p0 [hbm:s0], s1  }
0x1a4: {  	s0 =	simm.s32 @!p0 $0x2  }
0x1a5: {  	_ =	swait.ge @!p0 [sflag:s0], s1  }
0x1a6: {  	s1 =	ssub.s32 @!p0 $0x0, s1;
	[sflag:s0] =	ssyncset.done @!p0 $0x0  }
0x1a7: {  	[sflag:s0] =	ssyncadd.s32 @!p0 s1  }
0x1a8: {  	[bflag:$0x3] =	sbarrier.arrive $0xFFFF  }
0x1a9: {  	_ =	shalt  }

// kernel: kernel.8.cloned.1.call-start
scs
__scs_entry_jumppad:
0x0: {  	(pc) =	sbr.rel $0x88, $3  }
0x1: {  	(tag) =	ssettag $0x0;
	lr =	simm.s32 $0x1  }
0x2: {  	[smem:$0x3F99] =	sst lr;
	_ =	strace $0xD0000000  }
0x3: {  	_ = 	snop  }
0x4: {  	_ = 	snop  }
0x5: {  	_ = 	snop  }
0x6: {  	_ = 	snop  }
0x7: {  	_ = 	snop  }
__scs_overlays_trampoline_lowered:
0x8: {  	[smem:$0x3FA8] =	sst s0  }
0x9: {  	[smem:$0x3FA9] =	sst s1  }
0xa: {  	[smem:$0x3FAA] =	sst s2  }
0xb: {  	[smem:$0x3FAB] =	sst s3  }
0xc: {  	[smem:$0x3FAC] =	sst s4  }
0xd: {  	[smem:$0x3FAD] =	sst s5  }
0xe: {  	[smem:$0x3FAE] =	sst s6  }
0xf: {  	[smem:$0x3FAF] =	sst s7  }
0x10: {  	[smem:$0x3FB0] =	sst s8  }
0x11: {  	[smem:$0x3FB1] =	sst s9;
	s0 =	simm.s32 @!p0 $0x0  }
0x12: {  	s1 =	sld [smem:$0x3F97];
	s0 =	simm.s32 @p0 $0x1  }
0x13: {  	[smem:$0x3FB2] =	sst s0;
	s0 =	simm.s32 @!p1 $0x0  }
0x14: {  	s2 =	sld [smem:$0x3F96];
	s0 =	simm.s32 @p1 $0x1  }
0x15: {  	[smem:$0x3FB3] =	sst s0;
	s0 =	simm.s32 @!p2 $0x0  }
0x16: {  	s3 =	sld [smem:$0x3FDB];
	s0 =	simm.s32 @p2 $0x1  }
0x17: {  	s4 =	simm.s32 $0x1BF5;
	[smem:$0x3FB5] =	sst s0  }
0x18: {  	s0 =	sld [smem:$0x3F98];
	_ =	swait.ge [sflag:s4], $0x0  }
0x19: {  	s7 =	sld [smem:$0x3F99]  }
0x1a: {  	s8 =	sadd.s32 $0xFFFFE003, lr  }
0x1b: {  	s9 =	sadd.s32 $0xFFFFFEF7, lr;
	s5 =	simm.s32 $0xFFFFFFFF;
	p2 =	slt.u32 s8, $0xFFFFF086  }
0x1c: {  	p1 =	slt.u32 s9, $0xF7A;
	s5 =	simm.s32 @!p2 $0x0  }
0x1d: {  	s5 =	simm.s32 @p1 $0x1;
	p0 =	seq.s32 s7, s2  }
0x1e: {  	s7 =	smul.u32 @!p0 $0xF7A, s2;
	p2 =	seq.s32 @!p0 s5, $0x0  }
0x1f: {  	s9 =	smul.u32 $0xF7A, s1;
	s8 =	simm.s32 @!p0 $0x1BF5;
	p2 =	por !p2, p0  }
0x20: {  	[sflag:s8] =	ssyncset.s32 @!p0 $0xFFFFF086;
	s6 =	sadd.s32 @!p0 s3, s7;
	s7 =	simm.s32 @!p0 $0x108  }
0x21: {  	s3 =	sadd.s32 s3, s9;
	s6 =	sadd.s32 @!p0 $0x88, s6;
	s7 =	simm.s32 @p2 $0x1082  }
0x22: {  	[simem:s7], [sflag:s8] =	dma.local @!p0 [hbm:s6], $0xF7A  }
0x23: {  	s9 =	sor.u32 $0xD0000000, s2;
	s6 =	simm.s32 $0x108;
	_ =	swait.ge @!p0 [sflag:s8], $0x0  }
0x24: {  	s3 =	sadd.s32 $0x88, s3;
	s6 =	simm.s32 @!p1 $0x1082;
	[sflag:s4] =	ssyncset.s32 $0xFFFFF086  }
0x25: {  	[simem:s6], [sflag:s4] =	dma.local [hbm:s3], $0xF7A  }
0x26: {  	[smem:$0x3F99] =	sst s1;
	(tag) =	ssettag s2;
	_ =	strace s9  }
0x27: {  	s1 =	sld [smem:$0x3FA9]  }
0x28: {  	s2 =	sld [smem:$0x3FAA]  }
0x29: {  	s4 =	sld [smem:$0x3FAC]  }
0x2a: {  	p0 =	seq.s32 s5, $0x0;
	s5 =	sld [smem:$0x3FAD]  }
0x2b: {  	s6 =	sld [smem:$0x3FAE]  }
0x2c: {  	s7 =	sld [smem:$0x3FAF]  }
0x2d: {  	s3 =	simm.s32 $0x108;
	s8 =	sld [smem:$0x3FB0]  }
0x2e: {  	s3 =	simm.s32 @!p0 $0x1082;
	s9 =	sld [smem:$0x3FB1]  }
0x2f: {  	lr =	sadd.s32 s0, s3;
	s0 =	sld [smem:$0x3FA8]  }
0x30: {  	s3 =	sld [smem:$0x3FAB]  }
0x31: {  	[smem:$0x3FB4] =	sst s10  }
0x32: {  	s10 =	sld [smem:$0x3FB2];
	_ =	sdelay $0x3  }
0x33: {  	p0 =	seq.s32 s10, $0x1;
	s10 =	sld [smem:$0x3FB4];
	_ =	sdelay $0x3  }
0x34: {  	[smem:$0x3FB4] =	sst s10  }
0x35: {  	s10 =	sld [smem:$0x3FB3];
	_ =	sdelay $0x3  }
0x36: {  	p1 =	seq.s32 s10, $0x1;
	s10 =	sld [smem:$0x3FB4];
	_ =	sdelay $0x3  }
0x37: {  	[smem:$0x3FB4] =	sst s10  }
0x38: {  	s10 =	sld [smem:$0x3FB5]  }
0x39: {  	_ = 	snop;
	(pc) =	sbr.ind lr, $3  }
0x3a: {  	_ = 	snop  }
0x3b: {  	_ = 	snop  }
0x3c: {  	p2 =	seq.s32 s10, $0x1;
	s10 =	sld [smem:$0x3FB4]  }
0x3d: {  	_ =	shalt  }
0x3e: {  	_ =	shalt  }
0x3f: {  	_ =	shalt  }
0x40: {  	_ =	shalt  }
0x41: {  	_ =	shalt  }
0x42: {  	_ =	shalt  }
0x43: {  	_ =	shalt  }
0x44: {  	_ =	shalt  }
0x45: {  	_ =	shalt  }
0x46: {  	_ =	shalt  }
0x47: {  	_ =	shalt  }
0x48: {  	_ =	shalt  }
0x49: {  	_ =	shalt  }
0x4a: {  	_ =	shalt  }
0x4b: {  	_ =	shalt  }
0x4c: {  	_ =	shalt  }
0x4d: {  	_ =	shalt  }
0x4e: {  	_ =	shalt  }
0x4f: {  	_ =	shalt  }
0x50: {  	_ =	shalt  }
0x51: {  	_ =	shalt  }
0x52: {  	_ =	shalt  }
0x53: {  	_ =	shalt  }
0x54: {  	_ =	shalt  }
0x55: {  	_ =	shalt  }
0x56: {  	_ =	shalt  }
0x57: {  	_ =	shalt  }
0x58: {  	_ =	shalt  }
0x59: {  	_ =	shalt  }
0x5a: {  	_ =	shalt  }
0x5b: {  	_ =	shalt  }
0x5c: {  	_ =	shalt  }
0x5d: {  	_ =	shalt  }
0x5e: {  	_ =	shalt  }
0x5f: {  	_ =	shalt  }
0x60: {  	_ =	shalt  }
0x61: {  	_ =	shalt  }
0x62: {  	_ =	shalt  }
0x63: {  	_ =	shalt  }
0x64: {  	_ =	shalt  }
0x65: {  	_ =	shalt  }
0x66: {  	_ =	shalt  }
0x67: {  	_ =	shalt  }
0x68: {  	_ =	shalt  }
0x69: {  	_ =	shalt  }
0x6a: {  	_ =	shalt  }
0x6b: {  	_ =	shalt  }
0x6c: {  	_ =	shalt  }
0x6d: {  	_ =	shalt  }
0x6e: {  	_ =	shalt  }
0x6f: {  	_ =	shalt  }
0x70: {  	_ =	shalt  }
0x71: {  	_ =	shalt  }
0x72: {  	_ =	shalt  }
0x73: {  	_ =	shalt  }
0x74: {  	_ =	shalt  }
0x75: {  	_ =	shalt  }
0x76: {  	_ =	shalt  }
0x77: {  	_ =	shalt  }
0x78: {  	_ =	shalt  }
0x79: {  	_ =	shalt  }
0x7a: {  	_ =	shalt  }
0x7b: {  	_ =	shalt  }
0x7c: {  	_ =	shalt  }
0x7d: {  	_ =	shalt  }
0x7e: {  	_ =	shalt  }
0x7f: {  	_ =	shalt  }
0x80: {  	_ =	shalt  }
0x81: {  	_ =	shalt  }
0x82: {  	_ =	shalt  }
0x83: {  	_ =	shalt  }
0x84: {  	_ =	shalt  }
0x85: {  	_ =	shalt  }
0x86: {  	_ =	shalt  }
0x87: {  	_ =	shalt  }
.Lfunc_end0:
.L_simem_size_0:
called_computation.1_lowered:
.L_overlay_start_0:
0x88: {  	s2 =	sld [smem:$0x3FD9]  }
0x89: {  	s3 =	sld [smem:$0x3FFE];
	_ =	sdelay $0x1  }
0x8a: {  	s1 =	srdreg.scid  }
0x8b: {  	s0 =	sand.u32 $0x1, s1  }
0x8c: {  	s17 =	sshll.u32 s0, $0xA;
	s2 =	sadd.s32 s3, s2  }
0x8d: {  	s2 =	sadd.s32 s2, s17  }
0x8e: {  	[smem:$0x3FC0] =	sst s2  }
0x8f: {  	_ = 	snop  }
0x90: {  	s2 =	sld [smem:$0x3FD0];
	(tm) =	ssettm $0x1  }
0x91: {  	s18 =	sld [smem:$0x3FFB];
	_ =	sdelay $0x3  }
0x92: {  	_ =	strace s18  }
0x93: {  	s3 =	sld [smem:$0x3FFC];
	_ =	sdelay $0x3  }
0x94: {  	_ =	strace s3  }
0x95: {  	s3 =	sld [smem:$0x3FFD];
	_ =	sdelay $0x3  }
0x96: {  	_ =	strace s3  }
0x97: {  	_ =	strace $0x8FFFFFFF  }
0x98: {  	s19 =	sld [smem:$0x3FDB];
	_ =	sdelay $0x1  }
0x99: {  	s4 =	simm.s32 $_scs_section_size  }
0x9a: {  	s5 =	simm.s32 $_size__tile_overlayer_lowered;
	s6 =	simm.s32 $_tile_overlayer_lowered  }
0x9b: {  	s22 =	simm.s32 $0x1BFF;
	s21 =	sshll.u32 s6, $0x1;
	s3 =	sadd.s32 s4, s19  }
0x9c: {  	s7 =	simm.s32 $0x0;
	s20 =	sshll.u32 s5, $0x1;
	s5 =	sadd.s32 s21, s3  }
0x9d: {  	[timem:s7], [sflag:s22] =	dma.local [hbm:s5], s20  }
0x9e: {  	_ =	swait.ge [sflag:s22], s20  }
0x9f: {  	s4 =	ssub.s32 $0x0, s20;
	[sflag:s22] =	ssyncset.done $0x0  }
0xa0: {  	[sflag:s22] =	ssyncadd.s32 s4;
	_ =	sdelay $0x1  }
0xa1: {  	s23 =	simm.s32 $0x1B8B  }
0xa2: {  	_ =	swait.ge [sflag:s23], $0x1  }
0xa3: {  	[sflag:s23] =	ssyncset.done $0x0  }
0xa4: {  	s25 =	simm.s32 $0x1B8E;
	s24 =	sld [smem:$0x3FFE];
	[sflag:s23] =	ssyncadd.s32 $0xFFFFFFFF  }
0xa5: {  	s26 =	simm.s32 $execute0_lowered;
	[smem:$0x3FD2] =	sst s25  }
0xa6: {  	s5 =	sshll.u32 s26, $0x1;
	_ =	strace $0x80000046;
	[dreg:$0x1] =	wrdreg $0xFFFFFFFF  }
0xa7: {  	s28 =	simm.s32 $_size_execute0_lowered;
	s3 =	sadd.s32 s3, s5;
	[dreg:$0x0] =	wrdreg $0x0  }
0xa8: {  	s5 =	sshll.u32 s28, $0x1;
	[dreg:$0x2] =	wrdreg s3  }
0xa9: {  	[dreg:$0x3] =	wrdreg s5  }
0xaa: {  	[dreg:$0x4] =	wrdreg $0xC0  }
0xab: {  	_ =	task [dreg:s7], $0x5FFFF  }
0xac: {  	[dreg:$0x1] =	wrdreg $0xFFFFFFFF  }
0xad: {  	[dreg:$0x0] =	wrdreg $0x60  }
0xae: {  	[dreg:$0x2] =	wrdreg s2  }
0xaf: {  	[dreg:$0x3] =	wrdreg s24  }
0xb0: {  	[dreg:$0x4] =	wrdreg $0x9  }
0xb1: {  	_ =	task.clear_ibuf [dreg:s7], $0x5FFFF;
	_ =	strace $0x90000046  }
0xb2: {  	s29 =	simm.s32 $0x9;
	_ =	strace $0x80000048  }
0xb3: {  	_ =	swait.ge [sflag:s29], $0x1  }
0xb4: {  	[sflag:s29] =	ssyncadd.s32 $0xFFFFFFFF  }
0xb5: {  	_ =	strace $0x90000048  }
0xb6: {  	_ =	sfence  }
0xb7: {  	s30 =	sld [smem:$0x0];
	_ =	sdelay $0x2  }
0xb8: {  	s31 =	sshll.u32 s1, $0xD;
	s1 =	sshrl.u32 s1, $0x2  }
0xb9: {  	s3 =	sand.u32 $0x4000, s31;
	s1 =	sadd.s32 s1, s30  }
0xba: {  	s0 =	sor.u32 s3, s0;
	s1 =	sshll.u32 s1, $0x11  }
0xbb: {  	s0 =	sor.u32 s1, s0  }
0xbc: {  	s0 =	sadd.s32 $0x8F2B, s0  }
0xbd: {  	[sflag:s0] =	ssyncadd.remote.s32 $0x1  }
0xbe: {  	_ =	sfence.sel $0xFFFF  }
0xbf: {  	[dreg:$0x0] =	wrdreg $0xFFFFFFFF;
	(pc) =	sbr.abs _section_cstart, $3  }
0xc0: {  	[dreg:$0x1] =	wrdreg $0xFFFFFFFF  }
0xc1: {  	_ =	task.clear_ibuf [dreg:s7], $0x2FFFF;
	_ =	strace $0x9FFFFFFF  }
0xc2: {  	(tm) =	ssettm $0x7FFFFFFF  }
0xc3: {  	_ =	shalt  }
tec
execute0_lowered:
.L_overlay_start_1:
0x0: {  	(tag) =	ssettag $0x1  }
0x1: {  	s0 =	srdreg.scid  }
0x2: {  	s2 =	stileid.u32;
	s1 =	rddreg [dreg:$0x0]  }
0x3: {  	s4 =	rddreg [dreg:$0x1];
	s26 =	simm.s32 $0x80;
	s14 =	simm.s32 $0x100  }
0x4: {  	s18 =	simm.s32 $0x1900;
	s19 =	simm.s32 $0x2100;
	s20 =	simm.s32 $0x2900  }
0x5: {  	s21 =	simm.s32 $0x3100;
	s22 =	simm.s32 $0x3900;
	s23 =	simm.s32 $0x4100  }
0x6: {  	s24 =	simm.s32 $0x4900;
	s28 =	simm.s32 $0x6100;
	s29 =	simm.s32 $0x6900  }
0x7: {  	s30 =	simm.s32 $0x7100;
	s31 =	simm.s32 $0x7900;
	s8 =	simm.s32 $0x9100  }
0x8: {  	s9 =	simm.s32 $0x9900;
	s10 =	simm.s32 $0xA100;
	s11 =	simm.s32 $0xA900  }
0x9: {  	s12 =	simm.s32 $0xB100;
	s13 =	simm.s32 $0xB900;
	s0 =	sand.u32 $0x1, s0  }
0xa: {  	s7 =	simm.s32 $0xC100;
	s2 =	sshll.u32 s2, $0x8;
	s3 =	sshll.u32 s0, $0x7  }
0xb: {  	s15 =	simm.s32 $0xC900;
	s0 =	ssub.s32 $0x2, s0;
	s3 =	sor.u32 s3, s2  }
0xc: {  	s2 =	simm.s32 $0x0;
	s25 =	sshrl.u32 s0, $0x1;
	s5 =	sshrl.u32 s3, $0x3  }
0xd: {  	[smem:$0x7FF] =	sst s2;
	s3 =	sshll.u32 s3, $0x6;
	s0 =	ssub.s32 s0, s25  }
0xe: {  	s25 =	simm.s32 $0x5100;
	s5 =	sadd.s32 s5, s4;
	_ =	strace $0x80000047  }
0xf: {  	s1 =	sadd.s32 s1, s3;
	s3 =	sadd.s32 $0x22A00, s4;
	[dreg:$0x6] =	wrdreg s26  }
0x10: {  	v2 =	vlaneseq.u32;
	s4 =	sadd.s32 $0x22B00, s4;
	s6 =	sadd.s32 $0x22600, s5;
	[dreg:$0x5] =	wrdreg s1  }
0x11: {  	vm0 =	vmmov $0xffff;
	v1 =	vshrl.u32 v2, $0x3;
	s26 =	simm.s32 $0x5900;
	s5 =	sadd.s32 $0x22800, s5;
	[dreg:$0x3] =	wrdreg s6  }
0x12: {  	v0 =	vand.u32 $0x7, v2;
	v2 =	vor.u32 $0x8, v2;
	v1 =	vmul.u32 $0x8, v1;
	[dreg:$0x4] =	wrdreg s5;
	s5 =	smax.u32 s0, $0x1;
	s6 =	simm.s32 $0x3  }
.LBB2_1:
0x13: {  	s16 =	rddreg [dreg:$0x3]  }
0x14: {  	[tilespmem:s2], [sflag:$0x3] =	stream.linear.gather [hbm4b:s16+s2], $0x80, $0x38;
	[tilespmem:$0x10100] =	vst v63  }
0x15: {  	_ =	swait.ge [sflag:s6], $0x80  }
0x16: {  	s0 =	rddreg [dreg:$0x4];
	[sflag:s6] =	ssyncset.done $0x0  }
0x17: {  	s17 =	rddreg [dreg:$0x6];
	[sflag:s6] =	ssyncadd.s32 $0xFFFFFF80  }
0x18: {  	[tilespmem:s17], [sflag:$0x3] =	stream.linear.gather [hbm4b:s0+s2], $0x80, $0x38;
	[tilespmem:$0x10100] =	vst v63  }
0x19: {  	_ =	swait.ge [sflag:s6], $0x80  }
0x1a: {  	[sflag:s6] =	ssyncset.done $0x0  }
0x1b: {  	s1 =	rddreg [dreg:$0x5];
	[sflag:s6] =	ssyncadd.s32 $0xFFFFFF80  }
0x1c: {  	[tilespmem:s14], [sflag:$0x3] =	stream.linear.gather [hbm4b:s1+s2], $0x10000, $0x38;
	[tilespmem:$0x10100] =	vst v63  }
0x1d: {  	_ =	swait.ge [sflag:s6], $0x10000  }
0x1e: {  	[sflag:s6] =	ssyncset.done $0x0  }
0x1f: {  	[sflag:s6] =	ssyncadd.s32 $0xFFFF0000  }
0x20: {  	v3 =	vld [tilespmem:$0x0];
	_ =	sdelay $0x4  }
0x21: {  	v4 =	vshll.u32 v3, $0x2  }
0x22: {  	v3 =	vand.u32 $0x7, v3;
	v4 =	vand.u32 $0xFFFFFFE0, v4  }
0x23: {  	v3 =	vor.u32 v3, v4  }
0x24: {  	v4 =	vperm.xlane v3, v0;
	_ =	sdelay $0x1  }
0x25: {  	v4 =	vadd.s32 v1, v4;
	_ =	sdelay $0x1  }
0x26: {  	v3 =	vperm.xlane v3, v2;
	_ =	sdelay $0x1  }
0x27: {  	v3 =	vadd.s32 v1, v3  }
0x28: {  	[hbm4b:s3+s2] =	stream.indirect_vreg.scatter [tilespmem:s14], [sflag:$0x1], $0x80, v4, vm0, $0xb8;
	[tilespmem:$0x10100] =	vst v63  }
0x29: {  	s16 =	simm.s32 $0x900  }
0x2a: {  	[hbm4b:s4+s2] =	stream.indirect_vreg.scatter [tilespmem:s16], [sflag:$0x1], $0x80, v4, vm0, $0xb8;
	[tilespmem:$0x10100] =	vst v63  }
0x2b: {  	s17 =	simm.s32 $0x1100  }
0x2c: {  	[hbm4b:s3+s2] =	stream.indirect_vreg.scatter [tilespmem:s17], [sflag:$0x1], $0x80, v3, vm0, $0xb8;
	[tilespmem:$0x10100] =	vst v63  }
0x2d: {  	_ = 	snop  }
0x2e: {  	[hbm4b:s4+s2] =	stream.indirect_vreg.scatter [tilespmem:s18], [sflag:$0x1], $0x80, v3, vm0, $0xb8;
	[tilespmem:$0x10100] =	vst v63  }
0x2f: {  	v3 =	vld [tilespmem:$0x10];
	_ =	sdelay $0x4  }
0x30: {  	v49 =	vshll.u32 v3, $0x2  }
0x31: {  	v3 =	vand.u32 $0x7, v3;
	v4 =	vand.u32 $0xFFFFFFE0, v49  }
0x32: {  	v3 =	vor.u32 v3, v4  }
0x33: {  	v4 =	vperm.xlane v3, v0;
	_ =	sdelay $0x1  }
0x34: {  	v4 =	vadd.s32 v1, v4;
	_ =	sdelay $0x1  }
0x35: {  	v3 =	vperm.xlane v3, v2;
	_ =	sdelay $0x1  }
0x36: {  	v3 =	vadd.s32 v1, v3  }
0x37: {  	[hbm4b:s3+s2] =	stream.indirect_vreg.scatter [tilespmem:s19], [sflag:$0x1], $0x80, v4, vm0, $0xb8;
	[tilespmem:$0x10100] =	vst v63  }
0x38: {  	_ = 	snop  }
0x39: {  	[hbm4b:s4+s2] =	stream.indirect_vreg.scatter [tilespmem:s20], [sflag:$0x1], $0x80, v4, vm0, $0xb8;
	[tilespmem:$0x10100] =	vst v63  }
0x3a: {  	_ = 	snop  }
0x3b: {  	[hbm4b:s3+s2] =	stream.indirect_vreg.scatter [tilespmem:s21], [sflag:$0x1], $0x80, v3, vm0, $0xb8;
	[tilespmem:$0x10100] =	vst v63  }
0x3c: {  	_ = 	snop  }
0x3d: {  	[hbm4b:s4+s2] =	stream.indirect_vreg.scatter [tilespmem:s22], [sflag:$0x1], $0x80, v3, vm0, $0xb8;
	[tilespmem:$0x10100] =	vst v63  }
0x3e: {  	v3 =	vld [tilespmem:$0x20];
	_ =	sdelay $0x4  }
0x3f: {  	v50 =	vshll.u32 v3, $0x2  }
0x40: {  	v3 =	vand.u32 $0x7, v3;
	v4 =	vand.u32 $0xFFFFFFE0, v50  }
0x41: {  	v3 =	vor.u32 v3, v4  }
0x42: {  	v4 =	vperm.xlane v3, v0;
	_ =	sdelay $0x1  }
0x43: {  	v4 =	vadd.s32 v1, v4;
	_ =	sdelay $0x1  }
0x44: {  	v3 =	vperm.xlane v3, v2;
	_ =	sdelay $0x1  }
0x45: {  	v3 =	vadd.s32 v1, v3  }
0x46: {  	[hbm4b:s3+s2] =	stream.indirect_vreg.scatter [tilespmem:s23], [sflag:$0x1], $0x80, v4, vm0, $0xb8;
	[tilespmem:$0x10100] =	vst v63  }
0x47: {  	_ = 	snop  }
0x48: {  	[hbm4b:s4+s2] =	stream.indirect_vreg.scatter [tilespmem:s24], [sflag:$0x1], $0x80, v4, vm0, $0xb8;
	[tilespmem:$0x10100] =	vst v63  }
0x49: {  	_ = 	snop  }
0x4a: {  	[hbm4b:s3+s2] =	stream.indirect_vreg.scatter [tilespmem:s25], [sflag:$0x1], $0x80, v3, vm0, $0xb8;
	[tilespmem:$0x10100] =	vst v63  }
0x4b: {  	_ = 	snop  }
0x4c: {  	[hbm4b:s4+s2] =	stream.indirect_vreg.scatter [tilespmem:s26], [sflag:$0x1], $0x80, v3, vm0, $0xb8;
	[tilespmem:$0x10100] =	vst v63  }
0x4d: {  	v3 =	vld [tilespmem:$0x30];
	_ =	sdelay $0x4  }
0x4e: {  	v51 =	vshll.u32 v3, $0x2  }
0x4f: {  	v3 =	vand.u32 $0x7, v3;
	v4 =	vand.u32 $0xFFFFFFE0, v51  }
0x50: {  	v3 =	vor.u32 v3, v4  }
0x51: {  	v4 =	vperm.xlane v3, v0;
	_ =	sdelay $0x1  }
0x52: {  	v4 =	vadd.s32 v1, v4;
	_ =	sdelay $0x1  }
0x53: {  	v3 =	vperm.xlane v3, v2;
	_ =	sdelay $0x1  }
0x54: {  	v3 =	vadd.s32 v1, v3  }
0x55: {  	[hbm4b:s3+s2] =	stream.indirect_vreg.scatter [tilespmem:s28], [sflag:$0x1], $0x80, v4, vm0, $0xb8;
	[tilespmem:$0x10100] =	vst v63  }
0x56: {  	_ = 	snop  }
0x57: {  	[hbm4b:s4+s2] =	stream.indirect_vreg.scatter [tilespmem:s29], [sflag:$0x1], $0x80, v4, vm0, $0xb8;
	[tilespmem:$0x10100] =	vst v63  }
0x58: {  	_ = 	snop  }
0x59: {  	[hbm4b:s3+s2] =	stream.indirect_vreg.scatter [tilespmem:s30], [sflag:$0x1], $0x80, v3, vm0, $0xb8;
	[tilespmem:$0x10100] =	vst v63  }
0x5a: {  	_ = 	snop  }
0x5b: {  	[hbm4b:s4+s2] =	stream.indirect_vreg.scatter [tilespmem:s31], [sflag:$0x1], $0x80, v3, vm0, $0xb8;
	[tilespmem:$0x10100] =	vst v63  }
0x5c: {  	v3 =	vld [tilespmem:$0x40];
	_ =	sdelay $0x4  }
0x5d: {  	v52 =	vshll.u32 v3, $0x2  }
0x5e: {  	v3 =	vand.u32 $0x7, v3;
	v4 =	vand.u32 $0xFFFFFFE0, v52  }
0x5f: {  	v3 =	vor.u32 v3, v4  }
0x60: {  	v4 =	vperm.xlane v3, v0;
	_ =	sdelay $0x1  }
0x61: {  	v4 =	vadd.s32 v1, v4;
	_ =	sdelay $0x1  }
0x62: {  	v3 =	vperm.xlane v3, v2;
	_ =	sdelay $0x1  }
0x63: {  	s1 =	simm.s32 $0x8100;
	v3 =	vadd.s32 v1, v3  }
0x64: {  	[hbm4b:s3+s2] =	stream.indirect_vreg.scatter [tilespmem:s1], [sflag:$0x1], $0x80, v4, vm0, $0xb8;
	[tilespmem:$0x10100] =	vst v63  }
0x65: {  	s0 =	simm.s32 $0x8900  }
0x66: {  	[hbm4b:s4+s2] =	stream.indirect_vreg.scatter [tilespmem:s0], [sflag:$0x1], $0x80, v4, vm0, $0xb8;
	[tilespmem:$0x10100] =	vst v63  }
0x67: {  	_ = 	snop  }
0x68: {  	[hbm4b:s3+s2] =	stream.indirect_vreg.scatter [tilespmem:s8], [sflag:$0x1], $0x80, v3, vm0, $0xb8;
	[tilespmem:$0x10100] =	vst v63  }
0x69: {  	_ = 	snop  }
0x6a: {  	[hbm4b:s4+s2] =	stream.indirect_vreg.scatter [tilespmem:s9], [sflag:$0x1], $0x80, v3, vm0, $0xb8;
	[tilespmem:$0x10100] =	vst v63  }
0x6b: {  	v3 =	vld [tilespmem:$0x50];
	_ =	sdelay $0x4  }
0x6c: {  	v53 =	vshll.u32 v3, $0x2  }
0x6d: {  	v3 =	vand.u32 $0x7, v3;
	v4 =	vand.u32 $0xFFFFFFE0, v53  }
0x6e: {  	v3 =	vor.u32 v3, v4  }
0x6f: {  	v4 =	vperm.xlane v3, v0;
	_ =	sdelay $0x1  }
0x70: {  	v4 =	vadd.s32 v1, v4;
	_ =	sdelay $0x1  }
0x71: {  	v3 =	vperm.xlane v3, v2;
	_ =	sdelay $0x1  }
0x72: {  	v3 =	vadd.s32 v1, v3  }
0x73: {  	[hbm4b:s3+s2] =	stream.indirect_vreg.scatter [tilespmem:s10], [sflag:$0x1], $0x80, v4, vm0, $0xb8;
	[tilespmem:$0x10100] =	vst v63  }
0x74: {  	_ = 	snop  }
0x75: {  	[hbm4b:s4+s2] =	stream.indirect_vreg.scatter [tilespmem:s11], [sflag:$0x1], $0x80, v4, vm0, $0xb8;
	[tilespmem:$0x10100] =	vst v63  }
0x76: {  	_ = 	snop  }
0x77: {  	[hbm4b:s3+s2] =	stream.indirect_vreg.scatter [tilespmem:s12], [sflag:$0x1], $0x80, v3, vm0, $0xb8;
	[tilespmem:$0x10100] =	vst v63  }
0x78: {  	_ = 	snop  }
0x79: {  	[hbm4b:s4+s2] =	stream.indirect_vreg.scatter [tilespmem:s13], [sflag:$0x1], $0x80, v3, vm0, $0xb8;
	[tilespmem:$0x10100] =	vst v63  }
0x7a: {  	v3 =	vld [tilespmem:$0x60];
	_ =	sdelay $0x4  }
0x7b: {  	v54 =	vshll.u32 v3, $0x2  }
0x7c: {  	v3 =	vand.u32 $0x7, v3;
	v4 =	vand.u32 $0xFFFFFFE0, v54  }
0x7d: {  	v3 =	vor.u32 v3, v4  }
0x7e: {  	v4 =	vperm.xlane v3, v0;
	_ =	sdelay $0x1  }
0x7f: {  	v4 =	vadd.s32 v1, v4;
	_ =	sdelay $0x1  }
0x80: {  	v3 =	vperm.xlane v3, v2;
	_ =	sdelay $0x1  }
0x81: {  	v3 =	vadd.s32 v1, v3  }
0x82: {  	[hbm4b:s3+s2] =	stream.indirect_vreg.scatter [tilespmem:s7], [sflag:$0x1], $0x80, v4, vm0, $0xb8;
	[tilespmem:$0x10100] =	vst v63  }
0x83: {  	_ = 	snop  }
0x84: {  	[hbm4b:s4+s2] =	stream.indirect_vreg.scatter [tilespmem:s15], [sflag:$0x1], $0x80, v4, vm0, $0xb8;
	[tilespmem:$0x10100] =	vst v63  }
0x85: {  	s0 =	simm.s32 $0xD100  }
0x86: {  	[hbm4b:s3+s2] =	stream.indirect_vreg.scatter [tilespmem:s0], [sflag:$0x1], $0x80, v3, vm0, $0xb8;
	[tilespmem:$0x10100] =	vst v63  }
0x87: {  	s0 =	simm.s32 $0xD900  }
0x88: {  	[hbm4b:s4+s2] =	stream.indirect_vreg.scatter [tilespmem:s0], [sflag:$0x1], $0x80, v3, vm0, $0xb8;
	[tilespmem:$0x10100] =	vst v63  }
0x89: {  	v3 =	vld [tilespmem:$0x70];
	_ =	sdelay $0x4  }
0x8a: {  	v55 =	vshll.u32 v3, $0x2  }
0x8b: {  	v3 =	vand.u32 $0x7, v3;
	v4 =	vand.u32 $0xFFFFFFE0, v55  }
0x8c: {  	v3 =	vor.u32 v3, v4  }
0x8d: {  	v4 =	vperm.xlane v3, v0;
	_ =	sdelay $0x1  }
0x8e: {  	v4 =	vadd.s32 v1, v4;
	_ =	sdelay $0x1  }
0x8f: {  	v3 =	vperm.xlane v3, v2;
	_ =	sdelay $0x1  }
0x90: {  	s0 =	simm.s32 $0xE100;
	v3 =	vadd.s32 v1, v3  }
0x91: {  	[hbm4b:s3+s2] =	stream.indirect_vreg.scatter [tilespmem:s0], [sflag:$0x1], $0x80, v4, vm0, $0xb8;
	[tilespmem:$0x10100] =	vst v63  }
0x92: {  	s0 =	simm.s32 $0xE900  }
0x93: {  	[hbm4b:s4+s2] =	stream.indirect_vreg.scatter [tilespmem:s0], [sflag:$0x1], $0x80, v4, vm0, $0xb8;
	[tilespmem:$0x10100] =	vst v63  }
0x94: {  	s0 =	simm.s32 $0xF100  }
0x95: {  	[hbm4b:s3+s2] =	stream.indirect_vreg.scatter [tilespmem:s0], [sflag:$0x1], $0x80, v3, vm0, $0xb8;
	[tilespmem:$0x10100] =	vst v63  }
0x96: {  	s0 =	simm.s32 $0xF900  }
0x97: {  	[hbm4b:s4+s2] =	stream.indirect_vreg.scatter [tilespmem:s0], [sflag:$0x1], $0x80, v3, vm0, $0xb8;
	[tilespmem:$0x10100] =	vst v63  }
0x98: {  	v3 =	vld [tilespmem:$0x80];
	_ =	sdelay $0x4  }
0x99: {  	v56 =	vshll.u32 v3, $0x2  }
0x9a: {  	v3 =	vand.u32 $0x7, v3;
	v4 =	vand.u32 $0xFFFFFFE0, v56  }
0x9b: {  	v3 =	vor.u32 v3, v4  }
0x9c: {  	v4 =	vperm.xlane v3, v0;
	_ =	sdelay $0x1  }
0x9d: {  	v4 =	vadd.s32 v1, v4;
	_ =	sdelay $0x1  }
0x9e: {  	v3 =	vperm.xlane v3, v2;
	_ =	sdelay $0x1  }
0x9f: {  	v3 =	vadd.s32 v1, v3  }
0xa0: {  	[hbm4b:s3+s2] =	stream.indirect_vreg.scatter [tilespmem:s14], [sflag:$0x2], $0x80, v4, vm0, $0xb8;
	[tilespmem:$0x10100] =	vst v63  }
0xa1: {  	_ = 	snop  }
0xa2: {  	[hbm4b:s4+s2] =	stream.indirect_vreg.scatter [tilespmem:s16], [sflag:$0x2], $0x80, v4, vm0, $0xb8;
	[tilespmem:$0x10100] =	vst v63  }
0xa3: {  	_ = 	snop  }
0xa4: {  	[hbm4b:s3+s2] =	stream.indirect_vreg.scatter [tilespmem:s17], [sflag:$0x2], $0x80, v3, vm0, $0xb8;
	[tilespmem:$0x10100] =	vst v63  }
0xa5: {  	_ = 	snop  }
0xa6: {  	[hbm4b:s4+s2] =	stream.indirect_vreg.scatter [tilespmem:s18], [sflag:$0x2], $0x80, v3, vm0, $0xb8;
	[tilespmem:$0x10100] =	vst v63  }
0xa7: {  	v3 =	vld [tilespmem:$0x90];
	_ =	sdelay $0x4  }
0xa8: {  	v57 =	vshll.u32 v3, $0x2  }
0xa9: {  	v3 =	vand.u32 $0x7, v3;
	v4 =	vand.u32 $0xFFFFFFE0, v57  }
0xaa: {  	v3 =	vor.u32 v3, v4  }
0xab: {  	v4 =	vperm.xlane v3, v0;
	_ =	sdelay $0x1  }
0xac: {  	v4 =	vadd.s32 v1, v4;
	_ =	sdelay $0x1  }
0xad: {  	v3 =	vperm.xlane v3, v2;
	_ =	sdelay $0x1  }
0xae: {  	v3 =	vadd.s32 v1, v3  }
0xaf: {  	[hbm4b:s3+s2] =	stream.indirect_vreg.scatter [tilespmem:s19], [sflag:$0x2], $0x80, v4, vm0, $0xb8;
	[tilespmem:$0x10100] =	vst v63  }
0xb0: {  	_ = 	snop  }
0xb1: {  	[hbm4b:s4+s2] =	stream.indirect_vreg.scatter [tilespmem:s20], [sflag:$0x2], $0x80, v4, vm0, $0xb8;
	[tilespmem:$0x10100] =	vst v63  }
0xb2: {  	_ = 	snop  }
0xb3: {  	[hbm4b:s3+s2] =	stream.indirect_vreg.scatter [tilespmem:s21], [sflag:$0x2], $0x80, v3, vm0, $0xb8;
	[tilespmem:$0x10100] =	vst v63  }
0xb4: {  	_ = 	snop  }
0xb5: {  	[hbm4b:s4+s2] =	stream.indirect_vreg.scatter [tilespmem:s22], [sflag:$0x2], $0x80, v3, vm0, $0xb8;
	[tilespmem:$0x10100] =	vst v63  }
0xb6: {  	v3 =	vld [tilespmem:$0xA0];
	_ =	sdelay $0x4  }
0xb7: {  	v58 =	vshll.u32 v3, $0x2  }
0xb8: {  	v3 =	vand.u32 $0x7, v3;
	v4 =	vand.u32 $0xFFFFFFE0, v58  }
0xb9: {  	v3 =	vor.u32 v3, v4  }
0xba: {  	v4 =	vperm.xlane v3, v0;
	_ =	sdelay $0x1  }
0xbb: {  	v4 =	vadd.s32 v1, v4;
	_ =	sdelay $0x1  }
0xbc: {  	v3 =	vperm.xlane v3, v2;
	_ =	sdelay $0x1  }
0xbd: {  	v3 =	vadd.s32 v1, v3  }
0xbe: {  	[hbm4b:s3+s2] =	stream.indirect_vreg.scatter [tilespmem:s23], [sflag:$0x2], $0x80, v4, vm0, $0xb8;
	[tilespmem:$0x10100] =	vst v63  }
0xbf: {  	_ = 	snop  }
0xc0: {  	[hbm4b:s4+s2] =	stream.indirect_vreg.scatter [tilespmem:s24], [sflag:$0x2], $0x80, v4, vm0, $0xb8;
	[tilespmem:$0x10100] =	vst v63  }
0xc1: {  	_ = 	snop  }
0xc2: {  	[hbm4b:s3+s2] =	stream.indirect_vreg.scatter [tilespmem:s25], [sflag:$0x2], $0x80, v3, vm0, $0xb8;
	[tilespmem:$0x10100] =	vst v63  }
0xc3: {  	_ = 	snop  }
0xc4: {  	[hbm4b:s4+s2] =	stream.indirect_vreg.scatter [tilespmem:s26], [sflag:$0x2], $0x80, v3, vm0, $0xb8;
	[tilespmem:$0x10100] =	vst v63  }
0xc5: {  	v3 =	vld [tilespmem:$0xB0];
	_ =	sdelay $0x4  }
0xc6: {  	v59 =	vshll.u32 v3, $0x2  }
0xc7: {  	v3 =	vand.u32 $0x7, v3;
	v4 =	vand.u32 $0xFFFFFFE0, v59  }
0xc8: {  	v3 =	vor.u32 v3, v4  }
0xc9: {  	v4 =	vperm.xlane v3, v0;
	_ =	sdelay $0x1  }
0xca: {  	v4 =	vadd.s32 v1, v4;
	_ =	sdelay $0x1  }
0xcb: {  	v3 =	vperm.xlane v3, v2;
	_ =	sdelay $0x1  }
0xcc: {  	v3 =	vadd.s32 v1, v3  }
0xcd: {  	[hbm4b:s3+s2] =	stream.indirect_vreg.scatter [tilespmem:s28], [sflag:$0x2], $0x80, v4, vm0, $0xb8;
	[tilespmem:$0x10100] =	vst v63  }
0xce: {  	_ = 	snop  }
0xcf: {  	[hbm4b:s4+s2] =	stream.indirect_vreg.scatter [tilespmem:s29], [sflag:$0x2], $0x80, v4, vm0, $0xb8;
	[tilespmem:$0x10100] =	vst v63  }
0xd0: {  	_ = 	snop  }
0xd1: {  	[hbm4b:s3+s2] =	stream.indirect_vreg.scatter [tilespmem:s30], [sflag:$0x2], $0x80, v3, vm0, $0xb8;
	[tilespmem:$0x10100] =	vst v63  }
0xd2: {  	_ = 	snop  }
0xd3: {  	[hbm4b:s4+s2] =	stream.indirect_vreg.scatter [tilespmem:s31], [sflag:$0x2], $0x80, v3, vm0, $0xb8;
	[tilespmem:$0x10100] =	vst v63  }
0xd4: {  	v3 =	vld [tilespmem:$0xC0];
	_ =	sdelay $0x4  }
0xd5: {  	v60 =	vshll.u32 v3, $0x2  }
0xd6: {  	v3 =	vand.u32 $0x7, v3;
	v4 =	vand.u32 $0xFFFFFFE0, v60  }
0xd7: {  	v3 =	vor.u32 v3, v4  }
0xd8: {  	v4 =	vperm.xlane v3, v0;
	_ =	sdelay $0x1  }
0xd9: {  	v4 =	vadd.s32 v1, v4;
	_ =	sdelay $0x1  }
0xda: {  	v3 =	vperm.xlane v3, v2;
	_ =	sdelay $0x1  }
0xdb: {  	v3 =	vadd.s32 v1, v3  }
0xdc: {  	[hbm4b:s3+s2] =	stream.indirect_vreg.scatter [tilespmem:s1], [sflag:$0x2], $0x80, v4, vm0, $0xb8;
	[tilespmem:$0x10100] =	vst v63  }
0xdd: {  	s16 =	simm.s32 $0x8900  }
0xde: {  	[hbm4b:s4+s2] =	stream.indirect_vreg.scatter [tilespmem:s16], [sflag:$0x2], $0x80, v4, vm0, $0xb8;
	[tilespmem:$0x10100] =	vst v63  }
0xdf: {  	_ = 	snop  }
0xe0: {  	[hbm4b:s3+s2] =	stream.indirect_vreg.scatter [tilespmem:s8], [sflag:$0x2], $0x80, v3, vm0, $0xb8;
	[tilespmem:$0x10100] =	vst v63  }
0xe1: {  	_ = 	snop  }
0xe2: {  	[hbm4b:s4+s2] =	stream.indirect_vreg.scatter [tilespmem:s9], [sflag:$0x2], $0x80, v3, vm0, $0xb8;
	[tilespmem:$0x10100] =	vst v63  }
0xe3: {  	v3 =	vld [tilespmem:$0xD0];
	_ =	sdelay $0x4  }
0xe4: {  	v61 =	vshll.u32 v3, $0x2  }
0xe5: {  	v3 =	vand.u32 $0x7, v3;
	v4 =	vand.u32 $0xFFFFFFE0, v61  }
0xe6: {  	v3 =	vor.u32 v3, v4  }
0xe7: {  	v4 =	vperm.xlane v3, v0;
	_ =	sdelay $0x1  }
0xe8: {  	v4 =	vadd.s32 v1, v4;
	_ =	sdelay $0x1  }
0xe9: {  	v3 =	vperm.xlane v3, v2;
	_ =	sdelay $0x1  }
0xea: {  	v3 =	vadd.s32 v1, v3  }
0xeb: {  	[hbm4b:s3+s2] =	stream.indirect_vreg.scatter [tilespmem:s10], [sflag:$0x2], $0x80, v4, vm0, $0xb8;
	[tilespmem:$0x10100] =	vst v63  }
0xec: {  	_ = 	snop  }
0xed: {  	[hbm4b:s4+s2] =	stream.indirect_vreg.scatter [tilespmem:s11], [sflag:$0x2], $0x80, v4, vm0, $0xb8;
	[tilespmem:$0x10100] =	vst v63  }
0xee: {  	_ = 	snop  }
0xef: {  	[hbm4b:s3+s2] =	stream.indirect_vreg.scatter [tilespmem:s12], [sflag:$0x2], $0x80, v3, vm0, $0xb8;
	[tilespmem:$0x10100] =	vst v63  }
0xf0: {  	_ = 	snop  }
0xf1: {  	[hbm4b:s4+s2] =	stream.indirect_vreg.scatter [tilespmem:s13], [sflag:$0x2], $0x80, v3, vm0, $0xb8;
	[tilespmem:$0x10100] =	vst v63  }
0xf2: {  	v3 =	vld [tilespmem:$0xE0];
	_ =	sdelay $0x4  }
0xf3: {  	v62 =	vshll.u32 v3, $0x2  }
0xf4: {  	v3 =	vand.u32 $0x7, v3;
	v4 =	vand.u32 $0xFFFFFFE0, v62  }
0xf5: {  	v3 =	vor.u32 v3, v4  }
0xf6: {  	v4 =	vperm.xlane v3, v0;
	_ =	sdelay $0x1  }
0xf7: {  	v4 =	vadd.s32 v1, v4;
	_ =	sdelay $0x1  }
0xf8: {  	v3 =	vperm.xlane v3, v2;
	_ =	sdelay $0x1  }
0xf9: {  	v3 =	vadd.s32 v1, v3  }
0xfa: {  	[hbm4b:s3+s2] =	stream.indirect_vreg.scatter [tilespmem:s7], [sflag:$0x2], $0x80, v4, vm0, $0xb8;
	[tilespmem:$0x10100] =	vst v63  }
0xfb: {  	_ = 	snop  }
0xfc: {  	[hbm4b:s4+s2] =	stream.indirect_vreg.scatter [tilespmem:s15], [sflag:$0x2], $0x80, v4, vm0, $0xb8;
	[tilespmem:$0x10100] =	vst v63  }
0xfd: {  	s17 =	simm.s32 $0xD100  }
0xfe: {  	[hbm4b:s3+s2] =	stream.indirect_vreg.scatter [tilespmem:s17], [sflag:$0x2], $0x80, v3, vm0, $0xb8;
	[tilespmem:$0x10100] =	vst v63  }
0xff: {  	s16 =	simm.s32 $0xD900  }
0x100: {  	[hbm4b:s4+s2] =	stream.indirect_vreg.scatter [tilespmem:s16], [sflag:$0x2], $0x80, v3, vm0, $0xb8;
	[tilespmem:$0x10100] =	vst v63  }
0x101: {  	v3 =	vld [tilespmem:$0xF0];
	_ =	sdelay $0x4  }
0x102: {  	v63 =	vshll.u32 v3, $0x2  }
0x103: {  	v3 =	vand.u32 $0x7, v3;
	v4 =	vand.u32 $0xFFFFFFE0, v63  }
0x104: {  	v3 =	vor.u32 v3, v4  }
0x105: {  	v4 =	vperm.xlane v3, v0;
	_ =	sdelay $0x1  }
0x106: {  	v4 =	vadd.s32 v1, v4;
	_ =	sdelay $0x1  }
0x107: {  	v3 =	vperm.xlane v3, v2;
	_ =	sdelay $0x1  }
0x108: {  	s17 =	simm.s32 $0xE100;
	v3 =	vadd.s32 v1, v3  }
0x109: {  	[hbm4b:s3+s2] =	stream.indirect_vreg.scatter [tilespmem:s17], [sflag:$0x2], $0x80, v4, vm0, $0xb8;
	[tilespmem:$0x10100] =	vst v63  }
0x10a: {  	s16 =	simm.s32 $0xE900  }
0x10b: {  	[hbm4b:s4+s2] =	stream.indirect_vreg.scatter [tilespmem:s16], [sflag:$0x2], $0x80, v4, vm0, $0xb8;
	[tilespmem:$0x10100] =	vst v63  }
0x10c: {  	s17 =	simm.s32 $0xF100  }
0x10d: {  	[hbm4b:s3+s2] =	stream.indirect_vreg.scatter [tilespmem:s17], [sflag:$0x2], $0x80, v3, vm0, $0xb8;
	[tilespmem:$0x10100] =	vst v63  }
0x10e: {  	s16 =	simm.s32 $0x1  }
0x10f: {  	[hbm4b:s4+s2] =	stream.indirect_vreg.scatter [tilespmem:s0], [sflag:$0x2], $0x80, v3, vm0, $0xb8;
	[tilespmem:$0x10100] =	vst v63  }
0x110: {  	p0 =	sne.s32 s5, $0x1;
	_ =	swait.ge [sflag:s16], $0x10000  }
.Ltmp0:
0x111: {  	[sflag:s16] =	ssyncset.done $0x0;
	(pc) =	sbr.rel @p0 .LBB2_1-.Ltmp0, $4  }
0x112: {  	s17 =	simm.s32 $0x2;
	[sflag:s16] =	ssyncadd.s32 $0xFFFF0000  }
0x113: {  	_ =	swait.ge [sflag:s17], $0x10000  }
0x114: {  	[sflag:s17] =	ssyncset.done $0x0  }
0x115: {  	s5 =	sadd.s32 $0xFFFFFFFF, s5;
	[sflag:s17] =	ssyncadd.s32 $0xFFFF0000  }
0x116: {  	_ =	sfence.sel $0x180000  }
0x117: {  	[bflag:$0x0] =	sbarrier.arrive $0xFFFF  }
0x118: {  	_ =	strace $0x90000047  }
0x119: {  	s0 =	stileid.u32;
	[bflag:$0x2] =	sbarrier.arrive $0xFFFF  }
0x11a: {  	p0 =	sne.s32 s0, $0x0;
	s0 =	rddreg [dreg:$0x2]  }
0x11b: {  	s0 =	sadd.s32 @!p0 $0x100000, s0  }
0x11c: {  	[sflag:s0] =	ssyncadd.tile.s32 @!p0 $0x1;
	_ =	shalt  }
.Lfunc_end2:
_tile_overlayer_lowered:
.L_overlay_start_2:
0x11d: {  	(tag) =	ssettag $0x2  }
0x11e: {  	s0 =	rddreg [dreg:$0x0];
	s2 =	stileid.u32  }
0x11f: {  	s1 =	rddreg [dreg:$0x1];
	p0 =	sne.s32 s2, $0x0  }
0x120: {  	s3 =	rddreg [dreg:$0x2];
	[bflag:$0x3] =	sbarrier.arrive $0xFFFF;
	s2 =	simm.s32 @!p0 $0x1C03  }
0x121: {  	[timem:s3], [sflag:s2] =	dma.local @!p0 [hbm:s0], s1  }
0x122: {  	s0 =	simm.s32 @!p0 $0x3  }
0x123: {  	_ =	swait.ge @!p0 [sflag:s0], s1  }
0x124: {  	s1 =	ssub.s32 @!p0 $0x0, s1;
	[sflag:s0] =	ssyncset.done @!p0 $0x0  }
0x125: {  	[sflag:s0] =	ssyncadd.s32 @!p0 s1  }
0x126: {  	[bflag:$0x3] =	sbarrier.arrive $0xFFFF  }
0x127: {  	_ =	shalt  }

// kernel: sparse-core-data-format-call.cloned.1.call-start
scs
called_computation_lowered:
.L_overlay_start_0:
0x0: {  	s1 =	sld [smem:$0x3FD9]  }
0x1: {  	s2 =	sld [smem:$0x3FFE];
	_ =	sdelay $0x1  }
0x2: {  	s3 =	srdreg.scid  }
0x3: {  	s0 =	sand.u32 $0x1, s3  }
0x4: {  	s17 =	sshll.u32 s0, $0xA;
	s1 =	sadd.s32 s2, s1  }
0x5: {  	s1 =	sadd.s32 s1, s17  }
0x6: {  	[smem:$0x3FC0] =	sst s1  }
0x7: {  	_ = 	snop  }
0x8: {  	(tm) =	ssettm $0x1  }
0x9: {  	s18 =	sld [smem:$0x3FFB];
	_ =	sdelay $0x3  }
0xa: {  	_ =	strace s18  }
0xb: {  	s1 =	sld [smem:$0x3FFC];
	_ =	sdelay $0x3  }
0xc: {  	_ =	strace s1  }
0xd: {  	s1 =	sld [smem:$0x3FFD];
	_ =	sdelay $0x3  }
0xe: {  	_ =	strace s1  }
0xf: {  	_ =	strace $0x8FFFFFFF  }
0x10: {  	s19 =	sld [smem:$0x3FDB];
	_ =	sdelay $0x1  }
0x11: {  	s20 =	simm.s32 $_scs_section_size  }
0x12: {  	s4 =	simm.s32 $_size__tile_overlayer_lowered;
	s5 =	simm.s32 $_tile_overlayer_lowered  }
0x13: {  	s23 =	simm.s32 $0x1BFF;
	s22 =	sshll.u32 s5, $0x1;
	s1 =	sadd.s32 s20, s19  }
0x14: {  	s6 =	simm.s32 $0x0;
	s21 =	sshll.u32 s4, $0x1;
	s4 =	sadd.s32 s22, s1  }
0x15: {  	[timem:s6], [sflag:s23] =	dma.local [hbm:s4], s21  }
0x16: {  	_ =	swait.ge [sflag:s23], s21  }
0x17: {  	s2 =	ssub.s32 $0x0, s21;
	[sflag:s23] =	ssyncset.done $0x0  }
0x18: {  	[sflag:s23] =	ssyncadd.s32 s2;
	_ =	sdelay $0x1  }
0x19: {  	s24 =	simm.s32 $0x1B8B  }
0x1a: {  	_ =	swait.ge [sflag:s24], $0x1  }
0x1b: {  	[sflag:s24] =	ssyncset.done $0x0  }
0x1c: {  	s26 =	simm.s32 $0x1B8E;
	s25 =	sld [smem:$0x3FFE];
	[sflag:s24] =	ssyncadd.s32 $0xFFFFFFFF  }
0x1d: {  	s27 =	simm.s32 $execute0_lowered;
	[smem:$0x3FD2] =	sst s26  }
0x1e: {  	s4 =	sshll.u32 s27, $0x1;
	_ =	strace $0x80000049;
	[dreg:$0x1] =	wrdreg $0xFFFFFFFF  }
0x1f: {  	s28 =	simm.s32 $_size_execute0_lowered;
	s1 =	sadd.s32 s1, s4;
	[dreg:$0x0] =	wrdreg $0x0  }
0x20: {  	s4 =	sshll.u32 s28, $0x1;
	[dreg:$0x2] =	wrdreg s1  }
0x21: {  	[dreg:$0x3] =	wrdreg s4  }
0x22: {  	[dreg:$0x4] =	wrdreg $0xC0  }
0x23: {  	_ =	task [dreg:s6], $0x5FFFF  }
0x24: {  	[dreg:$0x1] =	wrdreg $0xFFFFFFFF  }
0x25: {  	[dreg:$0x0] =	wrdreg $0x60  }
0x26: {  	[dreg:$0x2] =	wrdreg s25  }
0x27: {  	[dreg:$0x3] =	wrdreg $0x9  }
0x28: {  	_ =	task.clear_ibuf [dreg:s6], $0x4FFFF;
	_ =	strace $0x90000049  }
0x29: {  	s29 =	simm.s32 $0x9;
	_ =	strace $0x8000004B  }
0x2a: {  	_ =	swait.ge [sflag:s29], $0x1  }
0x2b: {  	[sflag:s29] =	ssyncadd.s32 $0xFFFFFFFF  }
0x2c: {  	_ =	strace $0x9000004B  }
0x2d: {  	_ =	sfence  }
0x2e: {  	s30 =	sld [smem:$0x0];
	_ =	sdelay $0x2  }
0x2f: {  	s31 =	sshll.u32 s3, $0xD;
	s3 =	sshrl.u32 s3, $0x2  }
0x30: {  	s2 =	sand.u32 $0x4000, s31;
	s1 =	sadd.s32 s3, s30  }
0x31: {  	s0 =	sor.u32 s2, s0;
	s1 =	sshll.u32 s1, $0x11  }
0x32: {  	s0 =	sor.u32 s1, s0  }
0x33: {  	s0 =	sadd.s32 $0x8F2B, s0  }
0x34: {  	[sflag:s0] =	ssyncadd.remote.s32 $0x1  }
0x35: {  	_ =	sfence.sel $0xFFFF  }
0x36: {  	[dreg:$0x0] =	wrdreg $0xFFFFFFFF;
	(pc) =	sbr.abs _section_cstart, $3  }
0x37: {  	[dreg:$0x1] =	wrdreg $0xFFFFFFFF  }
0x38: {  	_ =	task.clear_ibuf [dreg:s6], $0x2FFFF;
	_ =	strace $0x9FFFFFFF  }
0x39: {  	(tm) =	ssettm $0x7FFFFFFF  }
tec
execute0_lowered:
.L_overlay_start_1:
0x0: {  	(tag) =	ssettag $0x1  }
0x1: {  	s0 =	stileid.u32;
	s1 =	srdreg.scid  }
0x2: {  	s7 =	rddreg [dreg:$0x0];
	s31 =	simm.s32 $0x2;
	s14 =	simm.s32 $0x0  }
0x3: {  	s13 =	simm.s32 $0x0;
	s12 =	simm.s32 $0x0;
	s2 =	sshll.u32 s0, $0x7  }
0x4: {  	s3 =	sshll.u32 s0, $0x4;
	s1 =	sshll.u32 s1, $0x8;
	s2 =	sand.u32 $0x380, s2  }
0x5: {  	s3 =	sor.u32 s3, s1;
	s1 =	rddreg [dreg:$0x1];
	_ =	strace $0x8000004A  }
0x6: {  	s3 =	sand.u32 $0x180, s3;
	s4 =	ssub.s32 $0x400, s2;
	s11 =	smov.u32 s2  }
0x7: {  	s5 =	sand.u32 $0x380, s4;
	s6 =	ssub.s32 $0x2800, s3;
	s9 =	sshrl.u32 s4, $0xA  }
0x8: {  	p0 =	sne.s32 s5, $0x0;
	s5 =	simm.s32 $0x1;
	s8 =	sand.u32 $0x180, s6  }
0x9: {  	s5 =	simm.s32 @!p0 $0x0;
	p0 =	sne.s32 s8, $0x0;
	s8 =	simm.s32 $0x1  }
.Ltmp0:
0xa: {  	s6 =	sshrl.u32 s6, $0x9;
	s8 =	simm.s32 @!p0 $0x0;
	(pc) =	sbr.rel .LBB1_1-.Ltmp0, $4  }
0xb: {  	s4 =	simm.s32 $0x1;
	s5 =	sadd.s32 s5, s9;
	s6 =	sadd.s32 s8, s6  }
0xc: {  	s10 =	smov.u32 s3;
	[sflag:s4] =	ssyncpa.u1 $0x0;
	s5 =	smul.u32 s5, s6  }
0xd: {  	[sflag:s31] =	ssyncpa.u1 $0x0;
	p0 =	por $0x0, $0x0;
	s9 =	simm.s32 $0x2000  }
0xe: {  	s6 =	sadd.s32 $0x202A00, s7;
	s7 =	sadd.s32 $0x22A00, s7;
	s8 =	sadd.s32 $0x1, s5  }
.LBB1_4:
0xf: {  	v5 =	vld [tilespmem:s18+$0xFFFFFFD0];
	[tilespmem:s17+$0x2040 ss:$0x81] =	vst.msk $0xffff, v4;
	s20 =	sshll.u32 s14, $0xA;
	s21 =	sshll.u32 s13, $0x3  }
0x10: {  	v58 =	vld [tilespmem:s18+$0xFFFFFFE0];
	[tilespmem:s17+$0x2850 ss:$0x81] =	vst.msk $0xffff, v3;
	s20 =	sand.u32 $0xFFFFE000, s20;
	s21 =	sand.u32 $0xFFFFFC00, s21  }
0x11: {  	s19 =	sshra.s32 s19, $0x2;
	v59 =	vld [tilespmem:s18+$0xFFFFFFF0];
	[tilespmem:s17+$0x3060 ss:$0x81] =	vst.msk $0xffff, v2;
	s20 =	sadd.s32 s21, s20  }
0x12: {  	v60 =	vld [tilespmem:s18+$0x0];
	[tilespmem:s17+$0x0 ss:$0x81] =	vst.msk $0xffff, v0;
	s16 =	sadd.s32 s19, s16;
	s26 =	sshrl.u32 s20, $0xA  }
0x13: {  	v61 =	vld [tilespmem:s18+$0x10];
	[tilespmem:s16+$0x3870 ss:$0x81] =	vst.msk $0xffff, v1;
	s27 =	smulhi.u32 $0xCCCCD, s26  }
0x14: {  	v62 =	vld [tilespmem:s18+$0x20];
	[tilespmem:s16+$0x810 ss:$0x81] =	vst.msk $0xffff, v5  }
0x15: {  	v63 =	vld [tilespmem:s18+$0xFFFFFFC0];
	s28 =	sshll.u32 s14, $0x7;
	[tilespmem:s16+$0x1020 ss:$0x81] =	vst.msk $0xffff, v58;
	s29 =	sshrl.u32 s27, $0x1  }
0x16: {  	s30 =	sand.u32 $0x78, s13;
	s14 =	sand.u32 $0x380, s28;
	[tilespmem:s16+$0x1830 ss:$0x81] =	vst.msk $0xffff, v59;
	s18 =	smul.u32 $0x2800, s29  }
0x17: {  	s14 =	sor.u32 s30, s14;
	[tilespmem:s16+$0x2040 ss:$0x81] =	vst.msk $0xffff, v60  }
0x18: {  	s31 =	sand.u32 $0x7, s13;
	s14 =	sshrl.u32 s14, $0x3;
	[tilespmem:s16+$0x2850 ss:$0x81] =	vst.msk $0xffff, v61;
	s17 =	ssub.s32 s26, s18  }
0x19: {  	s13 =	sshll.u32 s31, $0x12;
	s14 =	sadd.s32 s7, s14;
	[tilespmem:s16+$0x3060 ss:$0x81] =	vst.msk $0xffff, v62;
	s17 =	sshll.u32 s17, $0x7  }
0x1a: {  	s13 =	sor.u32 $0x400, s13;
	[tilespmem:s16+$0x0 ss:$0x81] =	vst.msk $0xffff, v63;
	s14 =	sadd.s32 s17, s14  }
0x1b: {  	[hbm4b:s14+s13] =	stream.strided.scatter [tilespmem:s15], [sflag:$0x2], $0x4000, s9, s13, $0x20;
	[tilespmem:$0x10100] =	vst v63  }
.LBB1_5:
0x1c: {  	s15 =	sadd.s32 $0x200, s10  }
0x1d: {  	s13 =	sadd.s32 $0x400, s11;
	s17 =	smov.u32 s11;
	p2 =	sgt.s32 s15, $0x27FF  }
0x1e: {  	s17 =	smov.u32 @p2 s13  }
0x1f: {  	s15 =	smov.u32 @p2 s3;
	p2 =	sgt.s32 s17, $0x3FF  }
0x20: {  	s17 =	smov.u32 @p2 s2;
	p2 =	sne.s32 s12, s8  }
.Ltmp1:
0x21: {  	p1 =	slt.u32 s12, $0x2;
	(pc) =	sbr.rel @!p2 .LBB1_6-.Ltmp1, $4  }
0x22: {  	s16 =	simm.s32 @!p1 $0x2  }
0x23: {  	s14 =	smov.u32 s10;
	p0 =	por !p0, !p0;
	_ =	swait.ge @!p1 [sflag:s16], $0x4000  }
0x24: {  	s13 =	smov.u32 s11;
	[sflag:s16] =	ssyncset.done @!p1 $0x0;
	s10 =	smov.u32 s15  }
0x25: {  	s12 =	sadd.s32 $0x1, s12;
	[sflag:s16] =	ssyncadd.s32 @!p1 $0xFFFFC000;
	s11 =	smov.u32 s17  }
.LBB1_1:
0x26: {  	p1 =	sge.u32 s12, s5  }
0x27: {  	s15 =	sshrl.u32 @!p1 s11, $0x3  }
0x28: {  	s16 =	sshll.u32 @!p1 s10, $0x3;
	s17 =	sshll.u32 @!p1 s11, $0x7;
	s15 =	smul.u32 @!p1 $0x14000, s15  }
0x29: {  	s18 =	sand.u32 @!p1 $0x7F, s10;
	s16 =	sand.u32 @!p1 $0xFFFFFC00, s16;
	s17 =	sand.u32 @!p1 $0x380, s17  }
0x2a: {  	s15 =	sadd.s32 @!p1 s15, s16;
	s16 =	sor.u32 @!p1 s18, s17  }
0x2b: {  	s16 =	sor.u32 @!p1 s15, s16  }
0x2c: {  	s17 =	smulhi.u32 @!p1 $0xCCCCCCCD, s16;
	_ =	sdelay $0x1  }
0x2d: {  	s15 =	smulhi.u32 @!p1 $0xCCCCCCCD, s15;
	s17 =	sshrl.u32 @!p1 s17, $0xD  }
0x2e: {  	s17 =	smul.u32 @!p1 $0x2800, s17  }
0x2f: {  	s31 =	sadd.s32 $0xFFFFFFFF, s12;
	s18 =	sxor.u32 @!p1 $0xFFFFFFFF, s12;
	s15 =	sshrl.u32 @!p1 s15, $0xD  }
0x30: {  	s18 =	sshll.u32 @!p1 s18, $0xE;
	s15 =	sand.u32 @!p1 $0x3FF, s15;
	s16 =	ssub.s32 @!p1 s16, s17  }
0x31: {  	s15 =	smul.u32 @!p1 $0x500, s15;
	s17 =	sshrl.u32 @!p1 s16, $0x3;
	s16 =	sand.u32 @!p1 $0x7, s16  }
0x32: {  	s18 =	sand.u32 @!p1 $0x4000, s18;
	s17 =	sadd.s32 @!p1 s6, s17;
	s16 =	sshll.u32 @!p1 s16, $0x12  }
0x33: {  	s15 =	sadd.s32 @!p1 s15, s17;
	s16 =	sor.u32 @!p1 $0x400, s16;
	s17 =	simm.s32 @!p1 $0x14000  }
0x34: {  	[tilespmem:s18], [sflag:$0x1] =	stream.strided.gather @!p1 [hbm4b:s15+s16], $0x4000, s17, s16, $0x38;
	[tilespmem:$0x10100] =	vst v63  }
0x35: {  	p1 =	sge.u32 s31, s5  }
.Ltmp2:
0x36: {  	_ = 	snop;
	(pc) =	sbr.rel @p1 .LBB1_5-.Ltmp2, $1  }
0x37: {  	_ =	sdelay $0x3  }
0x38: {  	s15 =	simm.s32 $0x1  }
0x39: {  	_ =	swait.ge [sflag:s4], $0x4000;
	s15 =	simm.s32 @!p0 $0x0  }
0x3a: {  	[sflag:s4] =	ssyncset.done $0x0;
	s16 =	sshll.u32 s15, $0xE  }
0x3b: {  	[sflag:s4] =	ssyncadd.s32 $0xFFFFC000;
	s18 =	sor.u32 $0x40, s16  }
0x3c: {  	s15 =	smul.u32 $0x10200, s15;
	v0 =	vld [tilespmem:s18+$0x30]  }
0x3d: {  	v1 =	vld [tilespmem:s18+$0xFFFFFFD0]  }
0x3e: {  	s15 =	sshrl.u32 s15, $0x2;
	v5 =	vld [tilespmem:s18+$0xFFFFFFE0]  }
0x3f: {  	v6 =	vld [tilespmem:s18+$0xFFFFFFF0];
	s16 =	sor.u32 $0x8000, s15  }
0x40: {  	s31 =	sand.u32 $0x1, s12;
	v4 =	vld [tilespmem:s18+$0x0];
	s17 =	sadd.s32 $0x0, s16  }
0x41: {  	v3 =	vld [tilespmem:s18+$0x10];
	s15 =	smul.u32 $0x10200, s31;
	[tilespmem:s17+$0x3870 ss:$0x81] =	vst.msk $0xffff, v0  }
0x42: {  	v2 =	vld [tilespmem:s18+$0x20];
	[tilespmem:s17+$0x810 ss:$0x81] =	vst.msk $0xffff, v1  }
0x43: {  	s15 =	sshrl.u32 s15, $0x2;
	v0 =	vld [tilespmem:s18+$0xFFFFFFC0];
	[tilespmem:s17+$0x1020 ss:$0x81] =	vst.msk $0xffff, v5;
	s18 =	sadd.s32 $0x80, s18  }
0x44: {  	s19 =	simm.s32 $0x4;
	s20 =	simm.s32 $0x8;
	s15 =	sor.u32 $0x8000, s15;
	[tilespmem:s17+$0x1830 ss:$0x81] =	vst.msk $0xffff, v6;
	v1 =	vld [tilespmem:s18+$0x30]  }
.LBB1_3:
0x45: {  	p1 =	sne.s32 s20, $0x1FC;
	v5 =	vld [tilespmem:s18+$0xFFFFFFD0];
	[tilespmem:s17+$0x2040 ss:$0x81] =	vst.msk $0xffff, v4  }
0x46: {  	v6 =	vld [tilespmem:s18+$0xFFFFFFE0];
	[tilespmem:s17+$0x2850 ss:$0x81] =	vst.msk $0xffff, v3  }
0x47: {  	s21 =	sshra.s32 s19, $0x2;
	s19 =	smov.u32 s20;
	v7 =	vld [tilespmem:s18+$0xFFFFFFF0];
	[tilespmem:s17+$0x3060 ss:$0x81] =	vst.msk $0xffff, v2  }
.Ltmp3:
0x48: {  	v4 =	vld [tilespmem:s18+$0x0];
	[tilespmem:s17+$0x0 ss:$0x81] =	vst.msk $0xffff, v0;
	s17 =	sadd.s32 s21, s16;
	(pc) =	sbr.rel @p1 .LBB1_3-.Ltmp3, $4  }
0x49: {  	v3 =	vld [tilespmem:s18+$0x10];
	[tilespmem:s17+$0x3870 ss:$0x81] =	vst.msk $0xffff, v1  }
0x4a: {  	[tilespmem:s17+$0x810 ss:$0x81] =	vst.msk $0xffff, v5;
	v2 =	vld [tilespmem:s18+$0x20]  }
0x4b: {  	v0 =	vld [tilespmem:s18+$0xFFFFFFC0];
	[tilespmem:s17+$0x1020 ss:$0x81] =	vst.msk $0xffff, v6;
	s18 =	sadd.s32 $0x80, s18  }
0x4c: {  	s20 =	sadd.s32 $0x4, s20;
	v1 =	vld [tilespmem:s18+$0x30];
	[tilespmem:s17+$0x1830 ss:$0x81] =	vst.msk $0xffff, v7  }
.Ltmp4:
0x4d: {  	_ = 	snop;
	(pc) =	sbr.rel .LBB1_4-.Ltmp4, $1  }
0x4e: {  	_ =	sdelay $0x3  }
.LBB1_6:
0x4f: {  	_ =	sfence.sel $0x180000  }
0x50: {  	s2 =	simm.s32 $0x1;
	[bflag:$0x0] =	sbarrier.arrive $0xFFFF  }
0x51: {  	s31 =	simm.s32 $0x2;
	[sflag:s2] =	ssyncpa.u1 $0x1  }
0x52: {  	[sflag:s31] =	ssyncpa.u1 $0x1  }
0x53: {  	p0 =	sne.s32 s0, $0x0;
	_ =	strace $0x9000004A  }
0x54: {  	s0 =	sadd.s32 @!p0 $0x100000, s1;
	[bflag:$0x2] =	sbarrier.arrive $0xFFFF  }
0x55: {  	[sflag:s0] =	ssyncadd.tile.s32 @!p0 $0x1;
	_ =	shalt  }
.Lfunc_end1:
_tile_overlayer_lowered:
.L_overlay_start_2:
0x56: {  	(tag) =	ssettag $0x2  }
0x57: {  	s0 =	rddreg [dreg:$0x0];
	s2 =	stileid.u32  }
0x58: {  	s1 =	rddreg [dreg:$0x1];
	p0 =	sne.s32 s2, $0x0  }
0x59: {  	s3 =	rddreg [dreg:$0x2];
	[bflag:$0x3] =	sbarrier.arrive $0xFFFF;
	s2 =	simm.s32 @!p0 $0x1C01  }
0x5a: {  	[timem:s3], [sflag:s2] =	dma.local @!p0 [hbm:s0], s1  }
0x5b: {  	s0 =	simm.s32 @!p0 $0x1  }
0x5c: {  	_ =	swait.ge @!p0 [sflag:s0], s1  }
0x5d: {  	s1 =	ssub.s32 @!p0 $0x0, s1;
	[sflag:s0] =	ssyncset.done @!p0 $0x0  }
0x5e: {  	[sflag:s0] =	ssyncadd.s32 @!p0 s1  }
0x5f: {  	[bflag:$0x3] =	sbarrier.arrive $0xFFFF  }
0x60: {  	_ =	shalt  }

</sc_bundles>
